<compile_context>
chip_gen: v7x
topology: tpu7x:2x2x1
jax: 0.10.2.dev20260603
libtpu: 0.0.44.dev20260713+nightly
codegen_flags: <defaults>
</compile_context>

<pallas_src>
import functools

import jax
import jax.numpy as jnp
from jax import lax
from jax.experimental import pallas as pl
from jax.experimental.pallas import tpu as pltpu
from jax.experimental.pallas import tpu_sc as plsc

B = 16384
D = 64
NC = 2
NS = 16
NW = NC * NS
BPW = B // NW
GCH = 128
NG = BPW // GCH


def _sc_body(idx_hbm, ut_hbm, mt_hbm, out_hbm,
             idx_u, idx_m, rows_u, rows_m, out_v, *sems):
    wid = lax.axis_index("s") * NC + lax.axis_index("c")
    idx_copies = []
    for j in range(NG):
        idx_copies.append(pltpu.async_copy(
            idx_hbm.at[4 * wid + j], idx_u.at[j], sems[2 * j]))
        idx_copies.append(pltpu.async_copy(
            idx_hbm.at[128 + 4 * wid + j], idx_m.at[j], sems[2 * j + 1]))
    for c in idx_copies:
        c.wait()

    def fire(j):
        return (
            pltpu.async_copy(
                ut_hbm.at[idx_u.at[j]], rows_u.at[pl.ds(j * GCH, GCH)],
                sems[2 * j]),
            pltpu.async_copy(
                mt_hbm.at[idx_m.at[j]], rows_m.at[pl.ds(j * GCH, GCH)],
                sems[2 * j + 1]),
        )

    copies = [fire(0), fire(1)]

    lanes = lax.iota(jnp.int32, 16)
    zero = jnp.zeros((16,), jnp.float32)

    def group_body(g, carry):
        row_idx = g * 16 + lanes

        def d_body(d8, accs):
            a0, a1, a2, a3 = accs
            base = d8 * 8
            for k in range(8):
                col = jnp.full((16,), 1, jnp.int32) * (base + k)
                au = plsc.load_gather(rows_u, [row_idx, col])
                am = plsc.load_gather(rows_m, [row_idx, col])
                p = au * am
                if k % 4 == 0:
                    a0 = a0 + p
                elif k % 4 == 1:
                    a1 = a1 + p
                elif k % 4 == 2:
                    a2 = a2 + p
                else:
                    a3 = a3 + p
            return a0, a1, a2, a3

        a0, a1, a2, a3 = lax.fori_loop(
            0, D // 8, d_body, (zero, zero, zero, zero))
        out_v[pl.ds(g * 16, 16)] = (a0 + a1) + (a2 + a3)
        return carry

    gpc = GCH // 16
    for j in range(NG):
        cu, cm = copies[j]
        cu.wait()
        cm.wait()
        if j + 2 < NG:
            copies.append(fire(j + 2))
        lax.fori_loop(j * gpc, (j + 1) * gpc, group_body, 0)

    pltpu.sync_copy(out_v, out_hbm.at[pl.ds(wid * BPW, BPW)])


@functools.partial(jax.jit, static_argnums=())
def _run(idx_packed, user_table, movie_table):
    k = functools.partial(
        pl.kernel,
        out_type=jax.ShapeDtypeStruct((B,), jnp.float32),
        mesh=plsc.VectorSubcoreMesh(core_axis_name="c", subcore_axis_name="s"),
        compiler_params=pltpu.CompilerParams(
            needs_layout_passes=False, use_tc_tiling_on_sc=False),
        scratch_types=[
            pltpu.VMEM((NG, GCH), jnp.int32),
            pltpu.VMEM((NG, GCH), jnp.int32),
            pltpu.VMEM((BPW, D), jnp.float32),
            pltpu.VMEM((BPW, D), jnp.float32),
            pltpu.VMEM((BPW,), jnp.float32),
        ] + [pltpu.SemaphoreType.DMA] * (2 * NG),
    )(_sc_body)
    return k(idx_packed, user_table, movie_table)


def kernel(user, movie, user_table, movie_table):
    packed = jnp.concatenate([user, movie], axis=0).reshape(256, 128)
    out = _run(packed, user_table, movie_table)
    return out.reshape(B, 1)

# --- scband reference (transcript-rebuilt; emitter-appended) ---
"""Pipeline reference for scband-collaborative-filtering-model-48936857370919 (READ-ONLY COPY).

The authoritative reference and input builder live on the scoring server;
editing this copy changes nothing except your own understanding.
"""

import jax, jax.numpy as jnp
import numpy as np

NUM_USERS = 100000
NUM_MOVIES = 100000
LATENT = 64
BATCH = 16384

def setup_inputs(seed: int = 0) -> dict:
    key = jax.random.key(seed)
    k1, k2, k3, k4 = jax.random.split(key, 4)
    user = jax.random.randint(k1, (BATCH, 1), 0, NUM_USERS, dtype=jnp.int32)
    movie = jax.random.randint(k2, (BATCH, 1), 0, NUM_MOVIES, dtype=jnp.int32)
    # Embedding tables: Keras Embedding(input_dim=vocab+1, output_dim=latent)
    user_table = jax.random.normal(k3, (NUM_USERS + 1, LATENT), dtype=jnp.float32) * 0.05
    movie_table = jax.random.normal(k4, (NUM_MOVIES + 1, LATENT), dtype=jnp.float32) * 0.05
    return {"user": user, "movie": movie, "user_table": user_table, "movie_table": movie_table}

def reference(user, movie, user_table, movie_table):
    # user: int[B,1], movie: int[B,1]
    # Embedding lookup -> [B,1,latent], Flatten -> [B,latent]
    user_vec = jnp.take(user_table, user[:, 0], axis=0)   # [B, latent]
    movie_vec = jnp.take(movie_table, movie[:, 0], axis=0)  # [B, latent]
    # Dot(axes=1) over the latent dimension -> [B, 1]
    product = jnp.sum(movie_vec * user_vec, axis=1, keepdims=True)
    return product

if __name__ == "__main__":
    import jax
    _d = setup_inputs()
    print(jax.jit(kernel)(*tuple(_d.values())))

</pallas_src>

<mosaic_0001>
#map = affine_map<(d0, d1) -> (0, 0)>
#map1 = affine_map<(d0, d1) -> (0)>
module attributes {stable_mosaic.version = 14 : i64} {
  func.func @_sc_body(%arg0: i32, %arg1: i32, %arg2: memref<256x128xi32, #tpu.memory_space<hbm>>, %arg3: memref<100001x64xf32, #tpu.memory_space<hbm>>, %arg4: memref<100001x64xf32, #tpu.memory_space<hbm>>, %arg5: memref<16384xf32, #tpu.memory_space<hbm>>, %arg6: memref<4x128xi32, #tpu.memory_space<vmem>>, %arg7: memref<4x128xi32, #tpu.memory_space<vmem>>, %arg8: memref<512x64xf32, #tpu.memory_space<vmem>>, %arg9: memref<512x64xf32, #tpu.memory_space<vmem>>, %arg10: memref<512xf32, #tpu.memory_space<vmem>>, %arg11: memref<!tpu.dma_semaphore, #tpu.memory_space<semaphore_mem>>, %arg12: memref<!tpu.dma_semaphore, #tpu.memory_space<semaphore_mem>>, %arg13: memref<!tpu.dma_semaphore, #tpu.memory_space<semaphore_mem>>, %arg14: memref<!tpu.dma_semaphore, #tpu.memory_space<semaphore_mem>>, %arg15: memref<!tpu.dma_semaphore, #tpu.memory_space<semaphore_mem>>, %arg16: memref<!tpu.dma_semaphore, #tpu.memory_space<semaphore_mem>>, %arg17: memref<!tpu.dma_semaphore, #tpu.memory_space<semaphore_mem>>, %arg18: memref<!tpu.dma_semaphore, #tpu.memory_space<semaphore_mem>>) attributes {dimension_semantics = [#tpu.dimension_semantics<core_parallel>, #tpu.dimension_semantics<subcore_parallel>], iteration_bounds = array<i64: 2, 16>, scalar_prefetch = 0 : i64, scratch_operands = 13 : i64, tpu.core_type = #tpu.core_type<sc_vector_subcore>, window_params = [{transform_indices = #map}, {transform_indices = #map}, {transform_indices = #map}, {transform_indices = #map1}]} {
    %mul3A = arith.constant 2 : i32
    %mul3A_0 = arith.muli %arg1, %mul3A : i32
    %add3A = arith.addi %mul3A_0, %arg0 : i32
    %mul3A_1 = arith.constant 4 : i32
    %mul3A_2 = arith.muli %mul3A_1, %add3A : i32
    %add3A_3 = arith.constant 0 : i32
    %add3A_4 = arith.addi %mul3A_2, %add3A_3 : i32
    %dma_start3A = arith.constant 0 : i32
    %dma_start3A_5 = arith.constant 0 : i32
    %dma_start3A_6 = tpu.memref_slice %arg6[%dma_start3A, %dma_start3A_5] : memref<4x128xi32, #tpu.memory_space<vmem>> -> memref<1x128xi32, #tpu.memory_space<vmem>>
    %dma_start3A_7 = tpu.memref_squeeze %dma_start3A_6 : memref<1x128xi32, #tpu.memory_space<vmem>> -> memref<128xi32, #tpu.memory_space<vmem>>
    %dma_start3A_8 = arith.constant 0 : i32
    %dma_start3A_9 = tpu.memref_slice %arg2[%add3A_4, %dma_start3A_8] : memref<256x128xi32, #tpu.memory_space<hbm>> -> memref<1x128xi32, #tpu.memory_space<hbm>>
    %dma_start3A_10 = tpu.memref_squeeze %dma_start3A_9 : memref<1x128xi32, #tpu.memory_space<hbm>> -> memref<128xi32, #tpu.memory_space<hbm>>
    %dma_start3A_11 = arith.constant 0 : i32
    %dma_start3A_12 = tpu.memref_slice %arg6[%dma_start3A, %dma_start3A_11] : memref<4x128xi32, #tpu.memory_space<vmem>> -> memref<1x128xi32, #tpu.memory_space<vmem>>
    %dma_start3A_13 = tpu.memref_squeeze %dma_start3A_12 : memref<1x128xi32, #tpu.memory_space<vmem>> -> memref<128xi32, #tpu.memory_space<vmem>>
    %dma_start3A_14 = arith.constant 0 : i32
    %dma_start3A_15 = tpu.memref_slice %arg2[%add3A_4, %dma_start3A_14] : memref<256x128xi32, #tpu.memory_space<hbm>> -> memref<1x128xi32, #tpu.memory_space<hbm>>
    %dma_start3A_16 = tpu.memref_squeeze %dma_start3A_15 : memref<1x128xi32, #tpu.memory_space<hbm>> -> memref<128xi32, #tpu.memory_space<hbm>>
    tpu.enqueue_dma source(%dma_start3A_16 : memref<128xi32, #tpu.memory_space<hbm>>) target(%dma_start3A_13 : memref<128xi32, #tpu.memory_space<vmem>>) target_semaphore(%arg11 : memref<!tpu.dma_semaphore, #tpu.memory_space<semaphore_mem>>)
    %mul3A_17 = arith.constant 4 : i32
    %mul3A_18 = arith.muli %mul3A_17, %add3A : i32
    %add3A_19 = arith.constant 128 : i32
    %add3A_20 = arith.addi %add3A_19, %mul3A_18 : i32
    %add3A_21 = arith.constant 0 : i32
    %add3A_22 = arith.addi %add3A_20, %add3A_21 : i32
    %dma_start3A_23 = arith.constant 0 : i32
    %dma_start3A_24 = arith.constant 0 : i32
    %dma_start3A_25 = tpu.memref_slice %arg7[%dma_start3A_23, %dma_start3A_24] : memref<4x128xi32, #tpu.memory_space<vmem>> -> memref<1x128xi32, #tpu.memory_space<vmem>>
    %dma_start3A_26 = tpu.memref_squeeze %dma_start3A_25 : memref<1x128xi32, #tpu.memory_space<vmem>> -> memref<128xi32, #tpu.memory_space<vmem>>
    %dma_start3A_27 = arith.constant 0 : i32
    %dma_start3A_28 = tpu.memref_slice %arg2[%add3A_22, %dma_start3A_27] : memref<256x128xi32, #tpu.memory_space<hbm>> -> memref<1x128xi32, #tpu.memory_space<hbm>>
    %dma_start3A_29 = tpu.memref_squeeze %dma_start3A_28 : memref<1x128xi32, #tpu.memory_space<hbm>> -> memref<128xi32, #tpu.memory_space<hbm>>
    %dma_start3A_30 = arith.constant 0 : i32
    %dma_start3A_31 = tpu.memref_slice %arg7[%dma_start3A_23, %dma_start3A_30] : memref<4x128xi32, #tpu.memory_space<vmem>> -> memref<1x128xi32, #tpu.memory_space<vmem>>
    %dma_start3A_32 = tpu.memref_squeeze %dma_start3A_31 : memref<1x128xi32, #tpu.memory_space<vmem>> -> memref<128xi32, #tpu.memory_space<vmem>>
    %dma_start3A_33 = arith.constant 0 : i32
    %dma_start3A_34 = tpu.memref_slice %arg2[%add3A_22, %dma_start3A_33] : memref<256x128xi32, #tpu.memory_space<hbm>> -> memref<1x128xi32, #tpu.memory_space<hbm>>
    %dma_start3A_35 = tpu.memref_squeeze %dma_start3A_34 : memref<1x128xi32, #tpu.memory_space<hbm>> -> memref<128xi32, #tpu.memory_space<hbm>>
    tpu.enqueue_dma source(%dma_start3A_35 : memref<128xi32, #tpu.memory_space<hbm>>) target(%dma_start3A_32 : memref<128xi32, #tpu.memory_space<vmem>>) target_semaphore(%arg12 : memref<!tpu.dma_semaphore, #tpu.memory_space<semaphore_mem>>)
    %mul3A_36 = arith.constant 4 : i32
    %mul3A_37 = arith.muli %mul3A_36, %add3A : i32
    %add3A_38 = arith.constant 1 : i32
    %add3A_39 = arith.addi %mul3A_37, %add3A_38 : i32
    %dma_start3A_40 = arith.constant 1 : i32
    %dma_start3A_41 = arith.constant 0 : i32
    %dma_start3A_42 = tpu.memref_slice %arg6[%dma_start3A_40, %dma_start3A_41] : memref<4x128xi32, #tpu.memory_space<vmem>> -> memref<1x128xi32, #tpu.memory_space<vmem>>
    %dma_start3A_43 = tpu.memref_squeeze %dma_start3A_42 : memref<1x128xi32, #tpu.memory_space<vmem>> -> memref<128xi32, #tpu.memory_space<vmem>>
    %dma_start3A_44 = arith.constant 0 : i32
    %dma_start3A_45 = tpu.memref_slice %arg2[%add3A_39, %dma_start3A_44] : memref<256x128xi32, #tpu.memory_space<hbm>> -> memref<1x128xi32, #tpu.memory_space<hbm>>
    %dma_start3A_46 = tpu.memref_squeeze %dma_start3A_45 : memref<1x128xi32, #tpu.memory_space<hbm>> -> memref<128xi32, #tpu.memory_space<hbm>>
    %dma_start3A_47 = arith.constant 0 : i32
    %dma_start3A_48 = tpu.memref_slice %arg6[%dma_start3A_40, %dma_start3A_47] : memref<4x128xi32, #tpu.memory_space<vmem>> -> memref<1x128xi32, #tpu.memory_space<vmem>>
    %dma_start3A_49 = tpu.memref_squeeze %dma_start3A_48 : memref<1x128xi32, #tpu.memory_space<vmem>> -> memref<128xi32, #tpu.memory_space<vmem>>
    %dma_start3A_50 = arith.constant 0 : i32
    %dma_start3A_51 = tpu.memref_slice %arg2[%add3A_39, %dma_start3A_50] : memref<256x128xi32, #tpu.memory_space<hbm>> -> memref<1x128xi32, #tpu.memory_space<hbm>>
    %dma_start3A_52 = tpu.memref_squeeze %dma_start3A_51 : memref<1x128xi32, #tpu.memory_space<hbm>> -> memref<128xi32, #tpu.memory_space<hbm>>
    tpu.enqueue_dma source(%dma_start3A_52 : memref<128xi32, #tpu.memory_space<hbm>>) target(%dma_start3A_49 : memref<128xi32, #tpu.memory_space<vmem>>) target_semaphore(%arg13 : memref<!tpu.dma_semaphore, #tpu.memory_space<semaphore_mem>>)
    %mul3A_53 = arith.constant 4 : i32
    %mul3A_54 = arith.muli %mul3A_53, %add3A : i32
    %add3A_55 = arith.constant 128 : i32
    %add3A_56 = arith.addi %add3A_55, %mul3A_54 : i32
    %add3A_57 = arith.constant 1 : i32
    %add3A_58 = arith.addi %add3A_56, %add3A_57 : i32
    %dma_start3A_59 = arith.constant 1 : i32
    %dma_start3A_60 = arith.constant 0 : i32
    %dma_start3A_61 = tpu.memref_slice %arg7[%dma_start3A_59, %dma_start3A_60] : memref<4x128xi32, #tpu.memory_space<vmem>> -> memref<1x128xi32, #tpu.memory_space<vmem>>
    %dma_start3A_62 = tpu.memref_squeeze %dma_start3A_61 : memref<1x128xi32, #tpu.memory_space<vmem>> -> memref<128xi32, #tpu.memory_space<vmem>>
    %dma_start3A_63 = arith.constant 0 : i32
    %dma_start3A_64 = tpu.memref_slice %arg2[%add3A_58, %dma_start3A_63] : memref<256x128xi32, #tpu.memory_space<hbm>> -> memref<1x128xi32, #tpu.memory_space<hbm>>
    %dma_start3A_65 = tpu.memref_squeeze %dma_start3A_64 : memref<1x128xi32, #tpu.memory_space<hbm>> -> memref<128xi32, #tpu.memory_space<hbm>>
    %dma_start3A_66 = arith.constant 0 : i32
    %dma_start3A_67 = tpu.memref_slice %arg7[%dma_start3A_59, %dma_start3A_66] : memref<4x128xi32, #tpu.memory_space<vmem>> -> memref<1x128xi32, #tpu.memory_space<vmem>>
    %dma_start3A_68 = tpu.memref_squeeze %dma_start3A_67 : memref<1x128xi32, #tpu.memory_space<vmem>> -> memref<128xi32, #tpu.memory_space<vmem>>
    %dma_start3A_69 = arith.constant 0 : i32
    %dma_start3A_70 = tpu.memref_slice %arg2[%add3A_58, %dma_start3A_69] : memref<256x128xi32, #tpu.memory_space<hbm>> -> memref<1x128xi32, #tpu.memory_space<hbm>>
    %dma_start3A_71 = tpu.memref_squeeze %dma_start3A_70 : memref<1x128xi32, #tpu.memory_space<hbm>> -> memref<128xi32, #tpu.memory_space<hbm>>
    tpu.enqueue_dma source(%dma_start3A_71 : memref<128xi32, #tpu.memory_space<hbm>>) target(%dma_start3A_68 : memref<128xi32, #tpu.memory_space<vmem>>) target_semaphore(%arg14 : memref<!tpu.dma_semaphore, #tpu.memory_space<semaphore_mem>>)
    %mul3A_72 = arith.constant 4 : i32
    %mul3A_73 = arith.muli %mul3A_72, %add3A : i32
    %add3A_74 = arith.constant 2 : i32
    %add3A_75 = arith.addi %mul3A_73, %add3A_74 : i32
    %dma_start3A_76 = arith.constant 2 : i32
    %dma_start3A_77 = arith.constant 0 : i32
    %dma_start3A_78 = tpu.memref_slice %arg6[%dma_start3A_76, %dma_start3A_77] : memref<4x128xi32, #tpu.memory_space<vmem>> -> memref<1x128xi32, #tpu.memory_space<vmem>>
    %dma_start3A_79 = tpu.memref_squeeze %dma_start3A_78 : memref<1x128xi32, #tpu.memory_space<vmem>> -> memref<128xi32, #tpu.memory_space<vmem>>
    %dma_start3A_80 = arith.constant 0 : i32
    %dma_start3A_81 = tpu.memref_slice %arg2[%add3A_75, %dma_start3A_80] : memref<256x128xi32, #tpu.memory_space<hbm>> -> memref<1x128xi32, #tpu.memory_space<hbm>>
    %dma_start3A_82 = tpu.memref_squeeze %dma_start3A_81 : memref<1x128xi32, #tpu.memory_space<hbm>> -> memref<128xi32, #tpu.memory_space<hbm>>
    %dma_start3A_83 = arith.constant 0 : i32
    %dma_start3A_84 = tpu.memref_slice %arg6[%dma_start3A_76, %dma_start3A_83] : memref<4x128xi32, #tpu.memory_space<vmem>> -> memref<1x128xi32, #tpu.memory_space<vmem>>
    %dma_start3A_85 = tpu.memref_squeeze %dma_start3A_84 : memref<1x128xi32, #tpu.memory_space<vmem>> -> memref<128xi32, #tpu.memory_space<vmem>>
    %dma_start3A_86 = arith.constant 0 : i32
    %dma_start3A_87 = tpu.memref_slice %arg2[%add3A_75, %dma_start3A_86] : memref<256x128xi32, #tpu.memory_space<hbm>> -> memref<1x128xi32, #tpu.memory_space<hbm>>
    %dma_start3A_88 = tpu.memref_squeeze %dma_start3A_87 : memref<1x128xi32, #tpu.memory_space<hbm>> -> memref<128xi32, #tpu.memory_space<hbm>>
    tpu.enqueue_dma source(%dma_start3A_88 : memref<128xi32, #tpu.memory_space<hbm>>) target(%dma_start3A_85 : memref<128xi32, #tpu.memory_space<vmem>>) target_semaphore(%arg15 : memref<!tpu.dma_semaphore, #tpu.memory_space<semaphore_mem>>)
    %mul3A_89 = arith.constant 4 : i32
    %mul3A_90 = arith.muli %mul3A_89, %add3A : i32
    %add3A_91 = arith.constant 128 : i32
    %add3A_92 = arith.addi %add3A_91, %mul3A_90 : i32
    %add3A_93 = arith.constant 2 : i32
    %add3A_94 = arith.addi %add3A_92, %add3A_93 : i32
    %dma_start3A_95 = arith.constant 2 : i32
    %dma_start3A_96 = arith.constant 0 : i32
    %dma_start3A_97 = tpu.memref_slice %arg7[%dma_start3A_95, %dma_start3A_96] : memref<4x128xi32, #tpu.memory_space<vmem>> -> memref<1x128xi32, #tpu.memory_space<vmem>>
    %dma_start3A_98 = tpu.memref_squeeze %dma_start3A_97 : memref<1x128xi32, #tpu.memory_space<vmem>> -> memref<128xi32, #tpu.memory_space<vmem>>
    %dma_start3A_99 = arith.constant 0 : i32
    %dma_start3A_100 = tpu.memref_slice %arg2[%add3A_94, %dma_start3A_99] : memref<256x128xi32, #tpu.memory_space<hbm>> -> memref<1x128xi32, #tpu.memory_space<hbm>>
    %dma_start3A_101 = tpu.memref_squeeze %dma_start3A_100 : memref<1x128xi32, #tpu.memory_space<hbm>> -> memref<128xi32, #tpu.memory_space<hbm>>
    %dma_start3A_102 = arith.constant 0 : i32
    %dma_start3A_103 = tpu.memref_slice %arg7[%dma_start3A_95, %dma_start3A_102] : memref<4x128xi32, #tpu.memory_space<vmem>> -> memref<1x128xi32, #tpu.memory_space<vmem>>
    %dma_start3A_104 = tpu.memref_squeeze %dma_start3A_103 : memref<1x128xi32, #tpu.memory_space<vmem>> -> memref<128xi32, #tpu.memory_space<vmem>>
    %dma_start3A_105 = arith.constant 0 : i32
    %dma_start3A_106 = tpu.memref_slice %arg2[%add3A_94, %dma_start3A_105] : memref<256x128xi32, #tpu.memory_space<hbm>> -> memref<1x128xi32, #tpu.memory_space<hbm>>
    %dma_start3A_107 = tpu.memref_squeeze %dma_start3A_106 : memref<1x128xi32, #tpu.memory_space<hbm>> -> memref<128xi32, #tpu.memory_space<hbm>>
    tpu.enqueue_dma source(%dma_start3A_107 : memref<128xi32, #tpu.memory_space<hbm>>) target(%dma_start3A_104 : memref<128xi32, #tpu.memory_space<vmem>>) target_semaphore(%arg16 : memref<!tpu.dma_semaphore, #tpu.memory_space<semaphore_mem>>)
    %mul3A_108 = arith.constant 4 : i32
    %mul3A_109 = arith.muli %mul3A_108, %add3A : i32
    %add3A_110 = arith.constant 3 : i32
    %add3A_111 = arith.addi %mul3A_109, %add3A_110 : i32
    %dma_start3A_112 = arith.constant 3 : i32
    %dma_start3A_113 = arith.constant 0 : i32
    %dma_start3A_114 = tpu.memref_slice %arg6[%dma_start3A_112, %dma_start3A_113] : memref<4x128xi32, #tpu.memory_space<vmem>> -> memref<1x128xi32, #tpu.memory_space<vmem>>
    %dma_start3A_115 = tpu.memref_squeeze %dma_start3A_114 : memref<1x128xi32, #tpu.memory_space<vmem>> -> memref<128xi32, #tpu.memory_space<vmem>>
    %dma_start3A_116 = arith.constant 0 : i32
    %dma_start3A_117 = tpu.memref_slice %arg2[%add3A_111, %dma_start3A_116] : memref<256x128xi32, #tpu.memory_space<hbm>> -> memref<1x128xi32, #tpu.memory_space<hbm>>
    %dma_start3A_118 = tpu.memref_squeeze %dma_start3A_117 : memref<1x128xi32, #tpu.memory_space<hbm>> -> memref<128xi32, #tpu.memory_space<hbm>>
    %dma_start3A_119 = arith.constant 0 : i32
    %dma_start3A_120 = tpu.memref_slice %arg6[%dma_start3A_112, %dma_start3A_119] : memref<4x128xi32, #tpu.memory_space<vmem>> -> memref<1x128xi32, #tpu.memory_space<vmem>>
    %dma_start3A_121 = tpu.memref_squeeze %dma_start3A_120 : memref<1x128xi32, #tpu.memory_space<vmem>> -> memref<128xi32, #tpu.memory_space<vmem>>
    %dma_start3A_122 = arith.constant 0 : i32
    %dma_start3A_123 = tpu.memref_slice %arg2[%add3A_111, %dma_start3A_122] : memref<256x128xi32, #tpu.memory_space<hbm>> -> memref<1x128xi32, #tpu.memory_space<hbm>>
    %dma_start3A_124 = tpu.memref_squeeze %dma_start3A_123 : memref<1x128xi32, #tpu.memory_space<hbm>> -> memref<128xi32, #tpu.memory_space<hbm>>
    tpu.enqueue_dma source(%dma_start3A_124 : memref<128xi32, #tpu.memory_space<hbm>>) target(%dma_start3A_121 : memref<128xi32, #tpu.memory_space<vmem>>) target_semaphore(%arg17 : memref<!tpu.dma_semaphore, #tpu.memory_space<semaphore_mem>>)
    %mul3A_125 = arith.constant 4 : i32
    %mul3A_126 = arith.muli %mul3A_125, %add3A : i32
    %add3A_127 = arith.constant 128 : i32
    %add3A_128 = arith.addi %add3A_127, %mul3A_126 : i32
    %add3A_129 = arith.constant 3 : i32
    %add3A_130 = arith.addi %add3A_128, %add3A_129 : i32
    %dma_start3A_131 = arith.constant 3 : i32
    %dma_start3A_132 = arith.constant 0 : i32
    %dma_start3A_133 = tpu.memref_slice %arg7[%dma_start3A_131, %dma_start3A_132] : memref<4x128xi32, #tpu.memory_space<vmem>> -> memref<1x128xi32, #tpu.memory_space<vmem>>
    %dma_start3A_134 = tpu.memref_squeeze %dma_start3A_133 : memref<1x128xi32, #tpu.memory_space<vmem>> -> memref<128xi32, #tpu.memory_space<vmem>>
    %dma_start3A_135 = arith.constant 0 : i32
    %dma_start3A_136 = tpu.memref_slice %arg2[%add3A_130, %dma_start3A_135] : memref<256x128xi32, #tpu.memory_space<hbm>> -> memref<1x128xi32, #tpu.memory_space<hbm>>
    %dma_start3A_137 = tpu.memref_squeeze %dma_start3A_136 : memref<1x128xi32, #tpu.memory_space<hbm>> -> memref<128xi32, #tpu.memory_space<hbm>>
    %dma_start3A_138 = arith.constant 0 : i32
    %dma_start3A_139 = tpu.memref_slice %arg7[%dma_start3A_131, %dma_start3A_138] : memref<4x128xi32, #tpu.memory_space<vmem>> -> memref<1x128xi32, #tpu.memory_space<vmem>>
    %dma_start3A_140 = tpu.memref_squeeze %dma_start3A_139 : memref<1x128xi32, #tpu.memory_space<vmem>> -> memref<128xi32, #tpu.memory_space<vmem>>
    %dma_start3A_141 = arith.constant 0 : i32
    %dma_start3A_142 = tpu.memref_slice %arg2[%add3A_130, %dma_start3A_141] : memref<256x128xi32, #tpu.memory_space<hbm>> -> memref<1x128xi32, #tpu.memory_space<hbm>>
    %dma_start3A_143 = tpu.memref_squeeze %dma_start3A_142 : memref<1x128xi32, #tpu.memory_space<hbm>> -> memref<128xi32, #tpu.memory_space<hbm>>
    tpu.enqueue_dma source(%dma_start3A_143 : memref<128xi32, #tpu.memory_space<hbm>>) target(%dma_start3A_140 : memref<128xi32, #tpu.memory_space<vmem>>) target_semaphore(%arg18 : memref<!tpu.dma_semaphore, #tpu.memory_space<semaphore_mem>>)
    %dma_wait3A = arith.constant 0 : i32
    %dma_wait3A_144 = arith.constant 0 : i32
    %dma_wait3A_145 = tpu.memref_slice %arg6[%dma_wait3A, %dma_wait3A_144] : memref<4x128xi32, #tpu.memory_space<vmem>> -> memref<1x128xi32, #tpu.memory_space<vmem>>
    %dma_wait3A_146 = tpu.memref_squeeze %dma_wait3A_145 : memref<1x128xi32, #tpu.memory_space<vmem>> -> memref<128xi32, #tpu.memory_space<vmem>>
    %dma_wait3A_147 = arith.constant 0 : i32
    %dma_wait3A_148 = tpu.memref_slice %arg2[%add3A_4, %dma_wait3A_147] : memref<256x128xi32, #tpu.memory_space<hbm>> -> memref<1x128xi32, #tpu.memory_space<hbm>>
    %dma_wait3A_149 = tpu.memref_squeeze %dma_wait3A_148 : memref<1x128xi32, #tpu.memory_space<hbm>> -> memref<128xi32, #tpu.memory_space<hbm>>
    %dma_wait3A_150 = arith.constant 0 : i32
    %dma_wait3A_151 = tpu.memref_slice %arg6[%dma_wait3A, %dma_wait3A_150] : memref<4x128xi32, #tpu.memory_space<vmem>> -> memref<1x128xi32, #tpu.memory_space<vmem>>
    %dma_wait3A_152 = tpu.memref_squeeze %dma_wait3A_151 : memref<1x128xi32, #tpu.memory_space<vmem>> -> memref<128xi32, #tpu.memory_space<vmem>>
    %dma_wait3A_153 = arith.constant 0 : i32
    %dma_wait3A_154 = tpu.memref_slice %arg2[%add3A_4, %dma_wait3A_153] : memref<256x128xi32, #tpu.memory_space<hbm>> -> memref<1x128xi32, #tpu.memory_space<hbm>>
    %dma_wait3A_155 = tpu.memref_squeeze %dma_wait3A_154 : memref<1x128xi32, #tpu.memory_space<hbm>> -> memref<128xi32, #tpu.memory_space<hbm>>
    tpu.wait_dma2 semaphore(%arg11 : memref<!tpu.dma_semaphore, #tpu.memory_space<semaphore_mem>>) src(%dma_wait3A_155 : memref<128xi32, #tpu.memory_space<hbm>>) dst(%dma_wait3A_152 : memref<128xi32, #tpu.memory_space<vmem>>)
    %dma_wait3A_156 = arith.constant 0 : i32
    %dma_wait3A_157 = arith.constant 0 : i32
    %dma_wait3A_158 = tpu.memref_slice %arg7[%dma_wait3A_156, %dma_wait3A_157] : memref<4x128xi32, #tpu.memory_space<vmem>> -> memref<1x128xi32, #tpu.memory_space<vmem>>
    %dma_wait3A_159 = tpu.memref_squeeze %dma_wait3A_158 : memref<1x128xi32, #tpu.memory_space<vmem>> -> memref<128xi32, #tpu.memory_space<vmem>>
    %dma_wait3A_160 = arith.constant 0 : i32
    %dma_wait3A_161 = tpu.memref_slice %arg2[%add3A_22, %dma_wait3A_160] : memref<256x128xi32, #tpu.memory_space<hbm>> -> memref<1x128xi32, #tpu.memory_space<hbm>>
    %dma_wait3A_162 = tpu.memref_squeeze %dma_wait3A_161 : memref<1x128xi32, #tpu.memory_space<hbm>> -> memref<128xi32, #tpu.memory_space<hbm>>
    %dma_wait3A_163 = arith.constant 0 : i32
    %dma_wait3A_164 = tpu.memref_slice %arg7[%dma_wait3A_156, %dma_wait3A_163] : memref<4x128xi32, #tpu.memory_space<vmem>> -> memref<1x128xi32, #tpu.memory_space<vmem>>
    %dma_wait3A_165 = tpu.memref_squeeze %dma_wait3A_164 : memref<1x128xi32, #tpu.memory_space<vmem>> -> memref<128xi32, #tpu.memory_space<vmem>>
    %dma_wait3A_166 = arith.constant 0 : i32
    %dma_wait3A_167 = tpu.memref_slice %arg2[%add3A_22, %dma_wait3A_166] : memref<256x128xi32, #tpu.memory_space<hbm>> -> memref<1x128xi32, #tpu.memory_space<hbm>>
    %dma_wait3A_168 = tpu.memref_squeeze %dma_wait3A_167 : memref<1x128xi32, #tpu.memory_space<hbm>> -> memref<128xi32, #tpu.memory_space<hbm>>
    tpu.wait_dma2 semaphore(%arg12 : memref<!tpu.dma_semaphore, #tpu.memory_space<semaphore_mem>>) src(%dma_wait3A_168 : memref<128xi32, #tpu.memory_space<hbm>>) dst(%dma_wait3A_165 : memref<128xi32, #tpu.memory_space<vmem>>)
    %dma_wait3A_169 = arith.constant 1 : i32
    %dma_wait3A_170 = arith.constant 0 : i32
    %dma_wait3A_171 = tpu.memref_slice %arg6[%dma_wait3A_169, %dma_wait3A_170] : memref<4x128xi32, #tpu.memory_space<vmem>> -> memref<1x128xi32, #tpu.memory_space<vmem>>
    %dma_wait3A_172 = tpu.memref_squeeze %dma_wait3A_171 : memref<1x128xi32, #tpu.memory_space<vmem>> -> memref<128xi32, #tpu.memory_space<vmem>>
    %dma_wait3A_173 = arith.constant 0 : i32
    %dma_wait3A_174 = tpu.memref_slice %arg2[%add3A_39, %dma_wait3A_173] : memref<256x128xi32, #tpu.memory_space<hbm>> -> memref<1x128xi32, #tpu.memory_space<hbm>>
    %dma_wait3A_175 = tpu.memref_squeeze %dma_wait3A_174 : memref<1x128xi32, #tpu.memory_space<hbm>> -> memref<128xi32, #tpu.memory_space<hbm>>
    %dma_wait3A_176 = arith.constant 0 : i32
    %dma_wait3A_177 = tpu.memref_slice %arg6[%dma_wait3A_169, %dma_wait3A_176] : memref<4x128xi32, #tpu.memory_space<vmem>> -> memref<1x128xi32, #tpu.memory_space<vmem>>
    %dma_wait3A_178 = tpu.memref_squeeze %dma_wait3A_177 : memref<1x128xi32, #tpu.memory_space<vmem>> -> memref<128xi32, #tpu.memory_space<vmem>>
    %dma_wait3A_179 = arith.constant 0 : i32
    %dma_wait3A_180 = tpu.memref_slice %arg2[%add3A_39, %dma_wait3A_179] : memref<256x128xi32, #tpu.memory_space<hbm>> -> memref<1x128xi32, #tpu.memory_space<hbm>>
    %dma_wait3A_181 = tpu.memref_squeeze %dma_wait3A_180 : memref<1x128xi32, #tpu.memory_space<hbm>> -> memref<128xi32, #tpu.memory_space<hbm>>
    tpu.wait_dma2 semaphore(%arg13 : memref<!tpu.dma_semaphore, #tpu.memory_space<semaphore_mem>>) src(%dma_wait3A_181 : memref<128xi32, #tpu.memory_space<hbm>>) dst(%dma_wait3A_178 : memref<128xi32, #tpu.memory_space<vmem>>)
    %dma_wait3A_182 = arith.constant 1 : i32
    %dma_wait3A_183 = arith.constant 0 : i32
    %dma_wait3A_184 = tpu.memref_slice %arg7[%dma_wait3A_182, %dma_wait3A_183] : memref<4x128xi32, #tpu.memory_space<vmem>> -> memref<1x128xi32, #tpu.memory_space<vmem>>
    %dma_wait3A_185 = tpu.memref_squeeze %dma_wait3A_184 : memref<1x128xi32, #tpu.memory_space<vmem>> -> memref<128xi32, #tpu.memory_space<vmem>>
    %dma_wait3A_186 = arith.constant 0 : i32
    %dma_wait3A_187 = tpu.memref_slice %arg2[%add3A_58, %dma_wait3A_186] : memref<256x128xi32, #tpu.memory_space<hbm>> -> memref<1x128xi32, #tpu.memory_space<hbm>>
    %dma_wait3A_188 = tpu.memref_squeeze %dma_wait3A_187 : memref<1x128xi32, #tpu.memory_space<hbm>> -> memref<128xi32, #tpu.memory_space<hbm>>
    %dma_wait3A_189 = arith.constant 0 : i32
    %dma_wait3A_190 = tpu.memref_slice %arg7[%dma_wait3A_182, %dma_wait3A_189] : memref<4x128xi32, #tpu.memory_space<vmem>> -> memref<1x128xi32, #tpu.memory_space<vmem>>
    %dma_wait3A_191 = tpu.memref_squeeze %dma_wait3A_190 : memref<1x128xi32, #tpu.memory_space<vmem>> -> memref<128xi32, #tpu.memory_space<vmem>>
    %dma_wait3A_192 = arith.constant 0 : i32
    %dma_wait3A_193 = tpu.memref_slice %arg2[%add3A_58, %dma_wait3A_192] : memref<256x128xi32, #tpu.memory_space<hbm>> -> memref<1x128xi32, #tpu.memory_space<hbm>>
    %dma_wait3A_194 = tpu.memref_squeeze %dma_wait3A_193 : memref<1x128xi32, #tpu.memory_space<hbm>> -> memref<128xi32, #tpu.memory_space<hbm>>
    tpu.wait_dma2 semaphore(%arg14 : memref<!tpu.dma_semaphore, #tpu.memory_space<semaphore_mem>>) src(%dma_wait3A_194 : memref<128xi32, #tpu.memory_space<hbm>>) dst(%dma_wait3A_191 : memref<128xi32, #tpu.memory_space<vmem>>)
    %dma_wait3A_195 = arith.constant 2 : i32
    %dma_wait3A_196 = arith.constant 0 : i32
    %dma_wait3A_197 = tpu.memref_slice %arg6[%dma_wait3A_195, %dma_wait3A_196] : memref<4x128xi32, #tpu.memory_space<vmem>> -> memref<1x128xi32, #tpu.memory_space<vmem>>
    %dma_wait3A_198 = tpu.memref_squeeze %dma_wait3A_197 : memref<1x128xi32, #tpu.memory_space<vmem>> -> memref<128xi32, #tpu.memory_space<vmem>>
    %dma_wait3A_199 = arith.constant 0 : i32
    %dma_wait3A_200 = tpu.memref_slice %arg2[%add3A_75, %dma_wait3A_199] : memref<256x128xi32, #tpu.memory_space<hbm>> -> memref<1x128xi32, #tpu.memory_space<hbm>>
    %dma_wait3A_201 = tpu.memref_squeeze %dma_wait3A_200 : memref<1x128xi32, #tpu.memory_space<hbm>> -> memref<128xi32, #tpu.memory_space<hbm>>
    %dma_wait3A_202 = arith.constant 0 : i32
    %dma_wait3A_203 = tpu.memref_slice %arg6[%dma_wait3A_195, %dma_wait3A_202] : memref<4x128xi32, #tpu.memory_space<vmem>> -> memref<1x128xi32, #tpu.memory_space<vmem>>
    %dma_wait3A_204 = tpu.memref_squeeze %dma_wait3A_203 : memref<1x128xi32, #tpu.memory_space<vmem>> -> memref<128xi32, #tpu.memory_space<vmem>>
    %dma_wait3A_205 = arith.constant 0 : i32
    %dma_wait3A_206 = tpu.memref_slice %arg2[%add3A_75, %dma_wait3A_205] : memref<256x128xi32, #tpu.memory_space<hbm>> -> memref<1x128xi32, #tpu.memory_space<hbm>>
    %dma_wait3A_207 = tpu.memref_squeeze %dma_wait3A_206 : memref<1x128xi32, #tpu.memory_space<hbm>> -> memref<128xi32, #tpu.memory_space<hbm>>
    tpu.wait_dma2 semaphore(%arg15 : memref<!tpu.dma_semaphore, #tpu.memory_space<semaphore_mem>>) src(%dma_wait3A_207 : memref<128xi32, #tpu.memory_space<hbm>>) dst(%dma_wait3A_204 : memref<128xi32, #tpu.memory_space<vmem>>)
    %dma_wait3A_208 = arith.constant 2 : i32
    %dma_wait3A_209 = arith.constant 0 : i32
    %dma_wait3A_210 = tpu.memref_slice %arg7[%dma_wait3A_208, %dma_wait3A_209] : memref<4x128xi32, #tpu.memory_space<vmem>> -> memref<1x128xi32, #tpu.memory_space<vmem>>
    %dma_wait3A_211 = tpu.memref_squeeze %dma_wait3A_210 : memref<1x128xi32, #tpu.memory_space<vmem>> -> memref<128xi32, #tpu.memory_space<vmem>>
    %dma_wait3A_212 = arith.constant 0 : i32
    %dma_wait3A_213 = tpu.memref_slice %arg2[%add3A_94, %dma_wait3A_212] : memref<256x128xi32, #tpu.memory_space<hbm>> -> memref<1x128xi32, #tpu.memory_space<hbm>>
    %dma_wait3A_214 = tpu.memref_squeeze %dma_wait3A_213 : memref<1x128xi32, #tpu.memory_space<hbm>> -> memref<128xi32, #tpu.memory_space<hbm>>
    %dma_wait3A_215 = arith.constant 0 : i32
    %dma_wait3A_216 = tpu.memref_slice %arg7[%dma_wait3A_208, %dma_wait3A_215] : memref<4x128xi32, #tpu.memory_space<vmem>> -> memref<1x128xi32, #tpu.memory_space<vmem>>
    %dma_wait3A_217 = tpu.memref_squeeze %dma_wait3A_216 : memref<1x128xi32, #tpu.memory_space<vmem>> -> memref<128xi32, #tpu.memory_space<vmem>>
    %dma_wait3A_218 = arith.constant 0 : i32
    %dma_wait3A_219 = tpu.memref_slice %arg2[%add3A_94, %dma_wait3A_218] : memref<256x128xi32, #tpu.memory_space<hbm>> -> memref<1x128xi32, #tpu.memory_space<hbm>>
    %dma_wait3A_220 = tpu.memref_squeeze %dma_wait3A_219 : memref<1x128xi32, #tpu.memory_space<hbm>> -> memref<128xi32, #tpu.memory_space<hbm>>
    tpu.wait_dma2 semaphore(%arg16 : memref<!tpu.dma_semaphore, #tpu.memory_space<semaphore_mem>>) src(%dma_wait3A_220 : memref<128xi32, #tpu.memory_space<hbm>>) dst(%dma_wait3A_217 : memref<128xi32, #tpu.memory_space<vmem>>)
    %dma_wait3A_221 = arith.constant 3 : i32
    %dma_wait3A_222 = arith.constant 0 : i32
    %dma_wait3A_223 = tpu.memref_slice %arg6[%dma_wait3A_221, %dma_wait3A_222] : memref<4x128xi32, #tpu.memory_space<vmem>> -> memref<1x128xi32, #tpu.memory_space<vmem>>
    %dma_wait3A_224 = tpu.memref_squeeze %dma_wait3A_223 : memref<1x128xi32, #tpu.memory_space<vmem>> -> memref<128xi32, #tpu.memory_space<vmem>>
    %dma_wait3A_225 = arith.constant 0 : i32
    %dma_wait3A_226 = tpu.memref_slice %arg2[%add3A_111, %dma_wait3A_225] : memref<256x128xi32, #tpu.memory_space<hbm>> -> memref<1x128xi32, #tpu.memory_space<hbm>>
    %dma_wait3A_227 = tpu.memref_squeeze %dma_wait3A_226 : memref<1x128xi32, #tpu.memory_space<hbm>> -> memref<128xi32, #tpu.memory_space<hbm>>
    %dma_wait3A_228 = arith.constant 0 : i32
    %dma_wait3A_229 = tpu.memref_slice %arg6[%dma_wait3A_221, %dma_wait3A_228] : memref<4x128xi32, #tpu.memory_space<vmem>> -> memref<1x128xi32, #tpu.memory_space<vmem>>
    %dma_wait3A_230 = tpu.memref_squeeze %dma_wait3A_229 : memref<1x128xi32, #tpu.memory_space<vmem>> -> memref<128xi32, #tpu.memory_space<vmem>>
    %dma_wait3A_231 = arith.constant 0 : i32
    %dma_wait3A_232 = tpu.memref_slice %arg2[%add3A_111, %dma_wait3A_231] : memref<256x128xi32, #tpu.memory_space<hbm>> -> memref<1x128xi32, #tpu.memory_space<hbm>>
    %dma_wait3A_233 = tpu.memref_squeeze %dma_wait3A_232 : memref<1x128xi32, #tpu.memory_space<hbm>> -> memref<128xi32, #tpu.memory_space<hbm>>
    tpu.wait_dma2 semaphore(%arg17 : memref<!tpu.dma_semaphore, #tpu.memory_space<semaphore_mem>>) src(%dma_wait3A_233 : memref<128xi32, #tpu.memory_space<hbm>>) dst(%dma_wait3A_230 : memref<128xi32, #tpu.memory_space<vmem>>)
    %dma_wait3A_234 = arith.constant 3 : i32
    %dma_wait3A_235 = arith.constant 0 : i32
    %dma_wait3A_236 = tpu.memref_slice %arg7[%dma_wait3A_234, %dma_wait3A_235] : memref<4x128xi32, #tpu.memory_space<vmem>> -> memref<1x128xi32, #tpu.memory_space<vmem>>
    %dma_wait3A_237 = tpu.memref_squeeze %dma_wait3A_236 : memref<1x128xi32, #tpu.memory_space<vmem>> -> memref<128xi32, #tpu.memory_space<vmem>>
    %dma_wait3A_238 = arith.constant 0 : i32
    %dma_wait3A_239 = tpu.memref_slice %arg2[%add3A_130, %dma_wait3A_238] : memref<256x128xi32, #tpu.memory_space<hbm>> -> memref<1x128xi32, #tpu.memory_space<hbm>>
    %dma_wait3A_240 = tpu.memref_squeeze %dma_wait3A_239 : memref<1x128xi32, #tpu.memory_space<hbm>> -> memref<128xi32, #tpu.memory_space<hbm>>
    %dma_wait3A_241 = arith.constant 0 : i32
    %dma_wait3A_242 = tpu.memref_slice %arg7[%dma_wait3A_234, %dma_wait3A_241] : memref<4x128xi32, #tpu.memory_space<vmem>> -> memref<1x128xi32, #tpu.memory_space<vmem>>
    %dma_wait3A_243 = tpu.memref_squeeze %dma_wait3A_242 : memref<1x128xi32, #tpu.memory_space<vmem>> -> memref<128xi32, #tpu.memory_space<vmem>>
    %dma_wait3A_244 = arith.constant 0 : i32
    %dma_wait3A_245 = tpu.memref_slice %arg2[%add3A_130, %dma_wait3A_244] : memref<256x128xi32, #tpu.memory_space<hbm>> -> memref<1x128xi32, #tpu.memory_space<hbm>>
    %dma_wait3A_246 = tpu.memref_squeeze %dma_wait3A_245 : memref<1x128xi32, #tpu.memory_space<hbm>> -> memref<128xi32, #tpu.memory_space<hbm>>
    tpu.wait_dma2 semaphore(%arg18 : memref<!tpu.dma_semaphore, #tpu.memory_space<semaphore_mem>>) src(%dma_wait3A_246 : memref<128xi32, #tpu.memory_space<hbm>>) dst(%dma_wait3A_243 : memref<128xi32, #tpu.memory_space<vmem>>)
    %dma_start3A_247 = arith.constant 0 : i32
    %dma_start3A_248 = arith.constant 0 : i32
    %dma_start3A_249 = arith.constant 0 : i32
    %dma_start3A_250 = tpu.memref_slice %arg8[%dma_start3A_248, %dma_start3A_249] : memref<512x64xf32, #tpu.memory_space<vmem>> -> memref<128x64xf32, #tpu.memory_space<vmem>>
    %dma_start3A_251 = arith.constant 0 : i32
    %dma_start3A_252 = tpu.memref_slice %arg6[%dma_start3A_247, %dma_start3A_251] : memref<4x128xi32, #tpu.memory_space<vmem>> -> memref<1x128xi32, #tpu.memory_space<vmem>>
    %dma_start3A_253 = tpu.memref_squeeze %dma_start3A_252 : memref<1x128xi32, #tpu.memory_space<vmem>> -> memref<128xi32, #tpu.memory_space<vmem>>
    %dma_start3A_254 = arith.constant 0 : i32
    %dma_start3A_255 = arith.constant 0 : i32
    %dma_start3A_256 = tpu.memref_slice %arg3[%dma_start3A_254, %dma_start3A_255] : memref<100001x64xf32, #tpu.memory_space<hbm>> -> memref<100001x64xf32, #tpu.memory_space<hbm>>
    tpu.enqueue_indirect_dma source(%dma_start3A_256 : memref<100001x64xf32, #tpu.memory_space<hbm>>) target(%dma_start3A_250 : memref<128x64xf32, #tpu.memory_space<vmem>>) offsets(%dma_start3A_253 : memref<128xi32, #tpu.memory_space<vmem>>) semaphore(%arg11 : memref<!tpu.dma_semaphore, #tpu.memory_space<semaphore_mem>>)
    %dma_start3A_257 = arith.constant 0 : i32
    %dma_start3A_258 = arith.constant 0 : i32
    %dma_start3A_259 = arith.constant 0 : i32
    %dma_start3A_260 = tpu.memref_slice %arg9[%dma_start3A_258, %dma_start3A_259] : memref<512x64xf32, #tpu.memory_space<vmem>> -> memref<128x64xf32, #tpu.memory_space<vmem>>
    %dma_start3A_261 = arith.constant 0 : i32
    %dma_start3A_262 = tpu.memref_slice %arg7[%dma_start3A_257, %dma_start3A_261] : memref<4x128xi32, #tpu.memory_space<vmem>> -> memref<1x128xi32, #tpu.memory_space<vmem>>
    %dma_start3A_263 = tpu.memref_squeeze %dma_start3A_262 : memref<1x128xi32, #tpu.memory_space<vmem>> -> memref<128xi32, #tpu.memory_space<vmem>>
    %dma_start3A_264 = arith.constant 0 : i32
    %dma_start3A_265 = arith.constant 0 : i32
    %dma_start3A_266 = tpu.memref_slice %arg4[%dma_start3A_264, %dma_start3A_265] : memref<100001x64xf32, #tpu.memory_space<hbm>> -> memref<100001x64xf32, #tpu.memory_space<hbm>>
    tpu.enqueue_indirect_dma source(%dma_start3A_266 : memref<100001x64xf32, #tpu.memory_space<hbm>>) target(%dma_start3A_260 : memref<128x64xf32, #tpu.memory_space<vmem>>) offsets(%dma_start3A_263 : memref<128xi32, #tpu.memory_space<vmem>>) semaphore(%arg12 : memref<!tpu.dma_semaphore, #tpu.memory_space<semaphore_mem>>)
    %dma_start3A_267 = arith.constant 1 : i32
    %dma_start3A_268 = arith.constant 128 : i32
    %dma_start3A_269 = arith.constant 0 : i32
    %dma_start3A_270 = tpu.memref_slice %arg8[%dma_start3A_268, %dma_start3A_269] : memref<512x64xf32, #tpu.memory_space<vmem>> -> memref<128x64xf32, #tpu.memory_space<vmem>>
    %dma_start3A_271 = arith.constant 0 : i32
    %dma_start3A_272 = tpu.memref_slice %arg6[%dma_start3A_267, %dma_start3A_271] : memref<4x128xi32, #tpu.memory_space<vmem>> -> memref<1x128xi32, #tpu.memory_space<vmem>>
    %dma_start3A_273 = tpu.memref_squeeze %dma_start3A_272 : memref<1x128xi32, #tpu.memory_space<vmem>> -> memref<128xi32, #tpu.memory_space<vmem>>
    %dma_start3A_274 = arith.constant 0 : i32
    %dma_start3A_275 = arith.constant 0 : i32
    %dma_start3A_276 = tpu.memref_slice %arg3[%dma_start3A_274, %dma_start3A_275] : memref<100001x64xf32, #tpu.memory_space<hbm>> -> memref<100001x64xf32, #tpu.memory_space<hbm>>
    tpu.enqueue_indirect_dma source(%dma_start3A_276 : memref<100001x64xf32, #tpu.memory_space<hbm>>) target(%dma_start3A_270 : memref<128x64xf32, #tpu.memory_space<vmem>>) offsets(%dma_start3A_273 : memref<128xi32, #tpu.memory_space<vmem>>) semaphore(%arg13 : memref<!tpu.dma_semaphore, #tpu.memory_space<semaphore_mem>>)
    %dma_start3A_277 = arith.constant 1 : i32
    %dma_start3A_278 = arith.constant 128 : i32
    %dma_start3A_279 = arith.constant 0 : i32
    %dma_start3A_280 = tpu.memref_slice %arg9[%dma_start3A_278, %dma_start3A_279] : memref<512x64xf32, #tpu.memory_space<vmem>> -> memref<128x64xf32, #tpu.memory_space<vmem>>
    %dma_start3A_281 = arith.constant 0 : i32
    %dma_start3A_282 = tpu.memref_slice %arg7[%dma_start3A_277, %dma_start3A_281] : memref<4x128xi32, #tpu.memory_space<vmem>> -> memref<1x128xi32, #tpu.memory_space<vmem>>
    %dma_start3A_283 = tpu.memref_squeeze %dma_start3A_282 : memref<1x128xi32, #tpu.memory_space<vmem>> -> memref<128xi32, #tpu.memory_space<vmem>>
    %dma_start3A_284 = arith.constant 0 : i32
    %dma_start3A_285 = arith.constant 0 : i32
    %dma_start3A_286 = tpu.memref_slice %arg4[%dma_start3A_284, %dma_start3A_285] : memref<100001x64xf32, #tpu.memory_space<hbm>> -> memref<100001x64xf32, #tpu.memory_space<hbm>>
    tpu.enqueue_indirect_dma source(%dma_start3A_286 : memref<100001x64xf32, #tpu.memory_space<hbm>>) target(%dma_start3A_280 : memref<128x64xf32, #tpu.memory_space<vmem>>) offsets(%dma_start3A_283 : memref<128xi32, #tpu.memory_space<vmem>>) semaphore(%arg14 : memref<!tpu.dma_semaphore, #tpu.memory_space<semaphore_mem>>)
    %iota3A = tpu.iota {dimensions = array<i32: 0>} : vector<16xi32>
    %broadcast_in_dim3A = arith.constant 0.000000e+00 : f32
    %broadcast_in_dim3A_287 = vector.broadcast %broadcast_in_dim3A : f32 to vector<16xf32>
    %dma_wait3A_288 = arith.constant 0 : i32
    %dma_wait3A_289 = arith.constant 0 : i32
    %dma_wait3A_290 = arith.constant 0 : i32
    %dma_wait3A_291 = tpu.memref_slice %arg8[%dma_wait3A_289, %dma_wait3A_290] : memref<512x64xf32, #tpu.memory_space<vmem>> -> memref<128x64xf32, #tpu.memory_space<vmem>>
    %dma_wait3A_292 = arith.constant 0 : i32
    %dma_wait3A_293 = tpu.memref_slice %arg6[%dma_wait3A_288, %dma_wait3A_292] : memref<4x128xi32, #tpu.memory_space<vmem>> -> memref<1x128xi32, #tpu.memory_space<vmem>>
    %dma_wait3A_294 = tpu.memref_squeeze %dma_wait3A_293 : memref<1x128xi32, #tpu.memory_space<vmem>> -> memref<128xi32, #tpu.memory_space<vmem>>
    %dma_wait3A_295 = arith.constant 0 : i32
    %dma_wait3A_296 = arith.constant 0 : i32
    %dma_wait3A_297 = tpu.memref_slice %arg3[%dma_wait3A_295, %dma_wait3A_296] : memref<100001x64xf32, #tpu.memory_space<hbm>> -> memref<100001x64xf32, #tpu.memory_space<hbm>>
    tpu.wait_indirect_dma semaphore(%arg11 : memref<!tpu.dma_semaphore, #tpu.memory_space<semaphore_mem>>) src(%dma_wait3A_297 : memref<100001x64xf32, #tpu.memory_space<hbm>>) dst(%dma_wait3A_291 : memref<128x64xf32, #tpu.memory_space<vmem>>)
    %dma_wait3A_298 = arith.constant 0 : i32
    %dma_wait3A_299 = arith.constant 0 : i32
    %dma_wait3A_300 = arith.constant 0 : i32
    %dma_wait3A_301 = tpu.memref_slice %arg9[%dma_wait3A_299, %dma_wait3A_300] : memref<512x64xf32, #tpu.memory_space<vmem>> -> memref<128x64xf32, #tpu.memory_space<vmem>>
    %dma_wait3A_302 = arith.constant 0 : i32
    %dma_wait3A_303 = tpu.memref_slice %arg7[%dma_wait3A_298, %dma_wait3A_302] : memref<4x128xi32, #tpu.memory_space<vmem>> -> memref<1x128xi32, #tpu.memory_space<vmem>>
    %dma_wait3A_304 = tpu.memref_squeeze %dma_wait3A_303 : memref<1x128xi32, #tpu.memory_space<vmem>> -> memref<128xi32, #tpu.memory_space<vmem>>
    %dma_wait3A_305 = arith.constant 0 : i32
    %dma_wait3A_306 = arith.constant 0 : i32
    %dma_wait3A_307 = tpu.memref_slice %arg4[%dma_wait3A_305, %dma_wait3A_306] : memref<100001x64xf32, #tpu.memory_space<hbm>> -> memref<100001x64xf32, #tpu.memory_space<hbm>>
    tpu.wait_indirect_dma semaphore(%arg12 : memref<!tpu.dma_semaphore, #tpu.memory_space<semaphore_mem>>) src(%dma_wait3A_307 : memref<100001x64xf32, #tpu.memory_space<hbm>>) dst(%dma_wait3A_301 : memref<128x64xf32, #tpu.memory_space<vmem>>)
    %dma_start3A_308 = arith.constant 2 : i32
    %dma_start3A_309 = arith.constant 256 : i32
    %dma_start3A_310 = arith.constant 0 : i32
    %dma_start3A_311 = tpu.memref_slice %arg8[%dma_start3A_309, %dma_start3A_310] : memref<512x64xf32, #tpu.memory_space<vmem>> -> memref<128x64xf32, #tpu.memory_space<vmem>>
    %dma_start3A_312 = arith.constant 0 : i32
    %dma_start3A_313 = tpu.memref_slice %arg6[%dma_start3A_308, %dma_start3A_312] : memref<4x128xi32, #tpu.memory_space<vmem>> -> memref<1x128xi32, #tpu.memory_space<vmem>>
    %dma_start3A_314 = tpu.memref_squeeze %dma_start3A_313 : memref<1x128xi32, #tpu.memory_space<vmem>> -> memref<128xi32, #tpu.memory_space<vmem>>
    %dma_start3A_315 = arith.constant 0 : i32
    %dma_start3A_316 = arith.constant 0 : i32
    %dma_start3A_317 = tpu.memref_slice %arg3[%dma_start3A_315, %dma_start3A_316] : memref<100001x64xf32, #tpu.memory_space<hbm>> -> memref<100001x64xf32, #tpu.memory_space<hbm>>
    tpu.enqueue_indirect_dma source(%dma_start3A_317 : memref<100001x64xf32, #tpu.memory_space<hbm>>) target(%dma_start3A_311 : memref<128x64xf32, #tpu.memory_space<vmem>>) offsets(%dma_start3A_314 : memref<128xi32, #tpu.memory_space<vmem>>) semaphore(%arg15 : memref<!tpu.dma_semaphore, #tpu.memory_space<semaphore_mem>>)
    %dma_start3A_318 = arith.constant 2 : i32
    %dma_start3A_319 = arith.constant 256 : i32
    %dma_start3A_320 = arith.constant 0 : i32
    %dma_start3A_321 = tpu.memref_slice %arg9[%dma_start3A_319, %dma_start3A_320] : memref<512x64xf32, #tpu.memory_space<vmem>> -> memref<128x64xf32, #tpu.memory_space<vmem>>
    %dma_start3A_322 = arith.constant 0 : i32
    %dma_start3A_323 = tpu.memref_slice %arg7[%dma_start3A_318, %dma_start3A_322] : memref<4x128xi32, #tpu.memory_space<vmem>> -> memref<1x128xi32, #tpu.memory_space<vmem>>
    %dma_start3A_324 = tpu.memref_squeeze %dma_start3A_323 : memref<1x128xi32, #tpu.memory_space<vmem>> -> memref<128xi32, #tpu.memory_space<vmem>>
    %dma_start3A_325 = arith.constant 0 : i32
    %dma_start3A_326 = arith.constant 0 : i32
    %dma_start3A_327 = tpu.memref_slice %arg4[%dma_start3A_325, %dma_start3A_326] : memref<100001x64xf32, #tpu.memory_space<hbm>> -> memref<100001x64xf32, #tpu.memory_space<hbm>>
    tpu.enqueue_indirect_dma source(%dma_start3A_327 : memref<100001x64xf32, #tpu.memory_space<hbm>>) target(%dma_start3A_321 : memref<128x64xf32, #tpu.memory_space<vmem>>) offsets(%dma_start3A_324 : memref<128xi32, #tpu.memory_space<vmem>>) semaphore(%arg16 : memref<!tpu.dma_semaphore, #tpu.memory_space<semaphore_mem>>)
    %scan3A = arith.constant 0 : i32
    %scan3A_328 = arith.constant 0 : i32
    %scan3A_329 = arith.constant 8 : i32
    %scan3A_330 = arith.addi %scan3A_328, %scan3A_329 : i32
    %scan3A_331 = arith.constant 1 : i32
    scf.for %scan3A_433 = %scan3A_328 to %scan3A_330 step %scan3A_331  : i32 {
      %mul3A_434 = arith.constant 16 : i32
      %mul3A_435 = arith.muli %scan3A_433, %mul3A_434 : i32
      %add3A_436 = vector.broadcast %mul3A_435 : i32 to vector<16xi32>
      %add3A_437 = arith.addi %add3A_436, %iota3A : vector<16xi32>
      %scan3A_438 = arith.constant 0 : i32
      %scan3A_439 = arith.constant 8 : i32
      %scan3A_440 = arith.addi %scan3A_438, %scan3A_439 : i32
      %scan3A_441 = arith.constant 1 : i32
      %scan3A_442:4 = scf.for %scan3A_450 = %scan3A_438 to %scan3A_440 step %scan3A_441 iter_args(%scan3A_451 = %broadcast_in_dim3A_287, %scan3A_452 = %broadcast_in_dim3A_287, %scan3A_453 = %broadcast_in_dim3A_287, %scan3A_454 = %broadcast_in_dim3A_287) -> (vector<16xf32>, vector<16xf32>, vector<16xf32>, vector<16xf32>)  : i32 {
        %mul3A_455 = arith.constant 8 : i32
        %mul3A_456 = arith.muli %scan3A_450, %mul3A_455 : i32
        %broadcast_in_dim3A_457 = arith.constant 1 : i32
        %broadcast_in_dim3A_458 = vector.broadcast %broadcast_in_dim3A_457 : i32 to vector<16xi32>
        %add3A_459 = arith.constant 0 : i32
        %add3A_460 = arith.addi %mul3A_456, %add3A_459 : i32
        %mul3A_461 = vector.broadcast %add3A_460 : i32 to vector<16xi32>
        %mul3A_462 = arith.muli %broadcast_in_dim3A_458, %mul3A_461 : vector<16xi32>
        %gather3A = tpu.vector_load_idx %arg8[%add3A_437, %mul3A_462] : memref<512x64xf32, #tpu.memory_space<vmem>>[vector<16xi32>, vector<16xi32>], vector<16xf32>,
        %gather3A_463 = tpu.vector_load_idx %arg9[%add3A_437, %mul3A_462] : memref<512x64xf32, #tpu.memory_space<vmem>>[vector<16xi32>, vector<16xi32>], vector<16xf32>,
        %mul3A_464 = arith.mulf %gather3A, %gather3A_463 : vector<16xf32>
        %add3A_465 = arith.addf %scan3A_451, %mul3A_464 : vector<16xf32>
        %broadcast_in_dim3A_466 = arith.constant 1 : i32
        %broadcast_in_dim3A_467 = vector.broadcast %broadcast_in_dim3A_466 : i32 to vector<16xi32>
        %add3A_468 = arith.constant 1 : i32
        %add3A_469 = arith.addi %mul3A_456, %add3A_468 : i32
        %mul3A_470 = vector.broadcast %add3A_469 : i32 to vector<16xi32>
        %mul3A_471 = arith.muli %broadcast_in_dim3A_467, %mul3A_470 : vector<16xi32>
        %gather3A_472 = tpu.vector_load_idx %arg8[%add3A_437, %mul3A_471] : memref<512x64xf32, #tpu.memory_space<vmem>>[vector<16xi32>, vector<16xi32>], vector<16xf32>,
        %gather3A_473 = tpu.vector_load_idx %arg9[%add3A_437, %mul3A_471] : memref<512x64xf32, #tpu.memory_space<vmem>>[vector<16xi32>, vector<16xi32>], vector<16xf32>,
        %mul3A_474 = arith.mulf %gather3A_472, %gather3A_473 : vector<16xf32>
        %add3A_475 = arith.addf %scan3A_452, %mul3A_474 : vector<16xf32>
        %broadcast_in_dim3A_476 = arith.constant 1 : i32
        %broadcast_in_dim3A_477 = vector.broadcast %broadcast_in_dim3A_476 : i32 to vector<16xi32>
        %add3A_478 = arith.constant 2 : i32
        %add3A_479 = arith.addi %mul3A_456, %add3A_478 : i32
        %mul3A_480 = vector.broadcast %add3A_479 : i32 to vector<16xi32>
        %mul3A_481 = arith.muli %broadcast_in_dim3A_477, %mul3A_480 : vector<16xi32>
        %gather3A_482 = tpu.vector_load_idx %arg8[%add3A_437, %mul3A_481] : memref<512x64xf32, #tpu.memory_space<vmem>>[vector<16xi32>, vector<16xi32>], vector<16xf32>,
        %gather3A_483 = tpu.vector_load_idx %arg9[%add3A_437, %mul3A_481] : memref<512x64xf32, #tpu.memory_space<vmem>>[vector<16xi32>, vector<16xi32>], vector<16xf32>,
        %mul3A_484 = arith.mulf %gather3A_482, %gather3A_483 : vector<16xf32>
        %add3A_485 = arith.addf %scan3A_453, %mul3A_484 : vector<16xf32>
        %broadcast_in_dim3A_486 = arith.constant 1 : i32
        %broadcast_in_dim3A_487 = vector.broadcast %broadcast_in_dim3A_486 : i32 to vector<16xi32>
        %add3A_488 = arith.constant 3 : i32
        %add3A_489 = arith.addi %mul3A_456, %add3A_488 : i32
        %mul3A_490 = vector.broadcast %add3A_489 : i32 to vector<16xi32>
        %mul3A_491 = arith.muli %broadcast_in_dim3A_487, %mul3A_490 : vector<16xi32>
        %gather3A_492 = tpu.vector_load_idx %arg8[%add3A_437, %mul3A_491] : memref<512x64xf32, #tpu.memory_space<vmem>>[vector<16xi32>, vector<16xi32>], vector<16xf32>,
        %gather3A_493 = tpu.vector_load_idx %arg9[%add3A_437, %mul3A_491] : memref<512x64xf32, #tpu.memory_space<vmem>>[vector<16xi32>, vector<16xi32>], vector<16xf32>,
        %mul3A_494 = arith.mulf %gather3A_492, %gather3A_493 : vector<16xf32>
        %add3A_495 = arith.addf %scan3A_454, %mul3A_494 : vector<16xf32>
        %broadcast_in_dim3A_496 = arith.constant 1 : i32
        %broadcast_in_dim3A_497 = vector.broadcast %broadcast_in_dim3A_496 : i32 to vector<16xi32>
        %add3A_498 = arith.constant 4 : i32
        %add3A_499 = arith.addi %mul3A_456, %add3A_498 : i32
        %mul3A_500 = vector.broadcast %add3A_499 : i32 to vector<16xi32>
        %mul3A_501 = arith.muli %broadcast_in_dim3A_497, %mul3A_500 : vector<16xi32>
        %gather3A_502 = tpu.vector_load_idx %arg8[%add3A_437, %mul3A_501] : memref<512x64xf32, #tpu.memory_space<vmem>>[vector<16xi32>, vector<16xi32>], vector<16xf32>,
        %gather3A_503 = tpu.vector_load_idx %arg9[%add3A_437, %mul3A_501] : memref<512x64xf32, #tpu.memory_space<vmem>>[vector<16xi32>, vector<16xi32>], vector<16xf32>,
        %mul3A_504 = arith.mulf %gather3A_502, %gather3A_503 : vector<16xf32>
        %add3A_505 = arith.addf %add3A_465, %mul3A_504 : vector<16xf32>
        %broadcast_in_dim3A_506 = arith.constant 1 : i32
        %broadcast_in_dim3A_507 = vector.broadcast %broadcast_in_dim3A_506 : i32 to vector<16xi32>
        %add3A_508 = arith.constant 5 : i32
        %add3A_509 = arith.addi %mul3A_456, %add3A_508 : i32
        %mul3A_510 = vector.broadcast %add3A_509 : i32 to vector<16xi32>
        %mul3A_511 = arith.muli %broadcast_in_dim3A_507, %mul3A_510 : vector<16xi32>
        %gather3A_512 = tpu.vector_load_idx %arg8[%add3A_437, %mul3A_511] : memref<512x64xf32, #tpu.memory_space<vmem>>[vector<16xi32>, vector<16xi32>], vector<16xf32>,
        %gather3A_513 = tpu.vector_load_idx %arg9[%add3A_437, %mul3A_511] : memref<512x64xf32, #tpu.memory_space<vmem>>[vector<16xi32>, vector<16xi32>], vector<16xf32>,
        %mul3A_514 = arith.mulf %gather3A_512, %gather3A_513 : vector<16xf32>
        %add3A_515 = arith.addf %add3A_475, %mul3A_514 : vector<16xf32>
        %broadcast_in_dim3A_516 = arith.constant 1 : i32
        %broadcast_in_dim3A_517 = vector.broadcast %broadcast_in_dim3A_516 : i32 to vector<16xi32>
        %add3A_518 = arith.constant 6 : i32
        %add3A_519 = arith.addi %mul3A_456, %add3A_518 : i32
        %mul3A_520 = vector.broadcast %add3A_519 : i32 to vector<16xi32>
        %mul3A_521 = arith.muli %broadcast_in_dim3A_517, %mul3A_520 : vector<16xi32>
        %gather3A_522 = tpu.vector_load_idx %arg8[%add3A_437, %mul3A_521] : memref<512x64xf32, #tpu.memory_space<vmem>>[vector<16xi32>, vector<16xi32>], vector<16xf32>,
        %gather3A_523 = tpu.vector_load_idx %arg9[%add3A_437, %mul3A_521] : memref<512x64xf32, #tpu.memory_space<vmem>>[vector<16xi32>, vector<16xi32>], vector<16xf32>,
        %mul3A_524 = arith.mulf %gather3A_522, %gather3A_523 : vector<16xf32>
        %add3A_525 = arith.addf %add3A_485, %mul3A_524 : vector<16xf32>
        %broadcast_in_dim3A_526 = arith.constant 1 : i32
        %broadcast_in_dim3A_527 = vector.broadcast %broadcast_in_dim3A_526 : i32 to vector<16xi32>
        %add3A_528 = arith.constant 7 : i32
        %add3A_529 = arith.addi %mul3A_456, %add3A_528 : i32
        %mul3A_530 = vector.broadcast %add3A_529 : i32 to vector<16xi32>
        %mul3A_531 = arith.muli %broadcast_in_dim3A_527, %mul3A_530 : vector<16xi32>
        %gather3A_532 = tpu.vector_load_idx %arg8[%add3A_437, %mul3A_531] : memref<512x64xf32, #tpu.memory_space<vmem>>[vector<16xi32>, vector<16xi32>], vector<16xf32>,
        %gather3A_533 = tpu.vector_load_idx %arg9[%add3A_437, %mul3A_531] : memref<512x64xf32, #tpu.memory_space<vmem>>[vector<16xi32>, vector<16xi32>], vector<16xf32>,
        %mul3A_534 = arith.mulf %gather3A_532, %gather3A_533 : vector<16xf32>
        %add3A_535 = arith.addf %add3A_495, %mul3A_534 : vector<16xf32>
        scf.yield %add3A_505, %add3A_515, %add3A_525, %add3A_535 : vector<16xf32>, vector<16xf32>, vector<16xf32>, vector<16xf32>
      }
      %scan3A_443 = arith.constant 8 : i32
      %add3A_444 = arith.addf %scan3A_442#0, %scan3A_442#1 : vector<16xf32>
      %add3A_445 = arith.addf %scan3A_442#2, %scan3A_442#3 : vector<16xf32>
      %add3A_446 = arith.addf %add3A_444, %add3A_445 : vector<16xf32>
      %mul3A_447 = arith.constant 16 : i32
      %mul3A_448 = arith.muli %scan3A_433, %mul3A_447 : i32
      %swap3A = arith.index_cast %mul3A_448 : i32 to index
      %swap3A_449 = tpu.vector_load %arg10[%swap3A] {strides = array<i32>} : memref<512xf32, #tpu.memory_space<vmem>>, vector<16xf32>,
      tpu.vector_store %arg10[%swap3A], %add3A_446 {strides = array<i32>} : memref<512xf32, #tpu.memory_space<vmem>>, vector<16xf32>,
    }
    %scan3A_332 = arith.constant 8 : i32
    %dma_wait3A_333 = arith.constant 1 : i32
    %dma_wait3A_334 = arith.constant 128 : i32
    %dma_wait3A_335 = arith.constant 0 : i32
    %dma_wait3A_336 = tpu.memref_slice %arg8[%dma_wait3A_334, %dma_wait3A_335] : memref<512x64xf32, #tpu.memory_space<vmem>> -> memref<128x64xf32, #tpu.memory_space<vmem>>
    %dma_wait3A_337 = arith.constant 0 : i32
    %dma_wait3A_338 = tpu.memref_slice %arg6[%dma_wait3A_333, %dma_wait3A_337] : memref<4x128xi32, #tpu.memory_space<vmem>> -> memref<1x128xi32, #tpu.memory_space<vmem>>
    %dma_wait3A_339 = tpu.memref_squeeze %dma_wait3A_338 : memref<1x128xi32, #tpu.memory_space<vmem>> -> memref<128xi32, #tpu.memory_space<vmem>>
    %dma_wait3A_340 = arith.constant 0 : i32
    %dma_wait3A_341 = arith.constant 0 : i32
    %dma_wait3A_342 = tpu.memref_slice %arg3[%dma_wait3A_340, %dma_wait3A_341] : memref<100001x64xf32, #tpu.memory_space<hbm>> -> memref<100001x64xf32, #tpu.memory_space<hbm>>
    tpu.wait_indirect_dma semaphore(%arg13 : memref<!tpu.dma_semaphore, #tpu.memory_space<semaphore_mem>>) src(%dma_wait3A_342 : memref<100001x64xf32, #tpu.memory_space<hbm>>) dst(%dma_wait3A_336 : memref<128x64xf32, #tpu.memory_space<vmem>>)
    %dma_wait3A_343 = arith.constant 1 : i32
    %dma_wait3A_344 = arith.constant 128 : i32
    %dma_wait3A_345 = arith.constant 0 : i32
    %dma_wait3A_346 = tpu.memref_slice %arg9[%dma_wait3A_344, %dma_wait3A_345] : memref<512x64xf32, #tpu.memory_space<vmem>> -> memref<128x64xf32, #tpu.memory_space<vmem>>
    %dma_wait3A_347 = arith.constant 0 : i32
    %dma_wait3A_348 = tpu.memref_slice %arg7[%dma_wait3A_343, %dma_wait3A_347] : memref<4x128xi32, #tpu.memory_space<vmem>> -> memref<1x128xi32, #tpu.memory_space<vmem>>
    %dma_wait3A_349 = tpu.memref_squeeze %dma_wait3A_348 : memref<1x128xi32, #tpu.memory_space<vmem>> -> memref<128xi32, #tpu.memory_space<vmem>>
    %dma_wait3A_350 = arith.constant 0 : i32
    %dma_wait3A_351 = arith.constant 0 : i32
    %dma_wait3A_352 = tpu.memref_slice %arg4[%dma_wait3A_350, %dma_wait3A_351] : memref<100001x64xf32, #tpu.memory_space<hbm>> -> memref<100001x64xf32, #tpu.memory_space<hbm>>
    tpu.wait_indirect_dma semaphore(%arg14 : memref<!tpu.dma_semaphore, #tpu.memory_space<semaphore_mem>>) src(%dma_wait3A_352 : memref<100001x64xf32, #tpu.memory_space<hbm>>) dst(%dma_wait3A_346 : memref<128x64xf32, #tpu.memory_space<vmem>>)
    %dma_start3A_353 = arith.constant 3 : i32
    %dma_start3A_354 = arith.constant 384 : i32
    %dma_start3A_355 = arith.constant 0 : i32
    %dma_start3A_356 = tpu.memref_slice %arg8[%dma_start3A_354, %dma_start3A_355] : memref<512x64xf32, #tpu.memory_space<vmem>> -> memref<128x64xf32, #tpu.memory_space<vmem>>
    %dma_start3A_357 = arith.constant 0 : i32
    %dma_start3A_358 = tpu.memref_slice %arg6[%dma_start3A_353, %dma_start3A_357] : memref<4x128xi32, #tpu.memory_space<vmem>> -> memref<1x128xi32, #tpu.memory_space<vmem>>
    %dma_start3A_359 = tpu.memref_squeeze %dma_start3A_358 : memref<1x128xi32, #tpu.memory_space<vmem>> -> memref<128xi32, #tpu.memory_space<vmem>>
    %dma_start3A_360 = arith.constant 0 : i32
    %dma_start3A_361 = arith.constant 0 : i32
    %dma_start3A_362 = tpu.memref_slice %arg3[%dma_start3A_360, %dma_start3A_361] : memref<100001x64xf32, #tpu.memory_space<hbm>> -> memref<100001x64xf32, #tpu.memory_space<hbm>>
    tpu.enqueue_indirect_dma source(%dma_start3A_362 : memref<100001x64xf32, #tpu.memory_space<hbm>>) target(%dma_start3A_356 : memref<128x64xf32, #tpu.memory_space<vmem>>) offsets(%dma_start3A_359 : memref<128xi32, #tpu.memory_space<vmem>>) semaphore(%arg17 : memref<!tpu.dma_semaphore, #tpu.memory_space<semaphore_mem>>)
    %dma_start3A_363 = arith.constant 3 : i32
    %dma_start3A_364 = arith.constant 384 : i32
    %dma_start3A_365 = arith.constant 0 : i32
    %dma_start3A_366 = tpu.memref_slice %arg9[%dma_start3A_364, %dma_start3A_365] : memref<512x64xf32, #tpu.memory_space<vmem>> -> memref<128x64xf32, #tpu.memory_space<vmem>>
    %dma_start3A_367 = arith.constant 0 : i32
    %dma_start3A_368 = tpu.memref_slice %arg7[%dma_start3A_363, %dma_start3A_367] : memref<4x128xi32, #tpu.memory_space<vmem>> -> memref<1x128xi32, #tpu.memory_space<vmem>>
    %dma_start3A_369 = tpu.memref_squeeze %dma_start3A_368 : memref<1x128xi32, #tpu.memory_space<vmem>> -> memref<128xi32, #tpu.memory_space<vmem>>
    %dma_start3A_370 = arith.constant 0 : i32
    %dma_start3A_371 = arith.constant 0 : i32
    %dma_start3A_372 = tpu.memref_slice %arg4[%dma_start3A_370, %dma_start3A_371] : memref<100001x64xf32, #tpu.memory_space<hbm>> -> memref<100001x64xf32, #tpu.memory_space<hbm>>
    tpu.enqueue_indirect_dma source(%dma_start3A_372 : memref<100001x64xf32, #tpu.memory_space<hbm>>) target(%dma_start3A_366 : memref<128x64xf32, #tpu.memory_space<vmem>>) offsets(%dma_start3A_369 : memref<128xi32, #tpu.memory_space<vmem>>) semaphore(%arg18 : memref<!tpu.dma_semaphore, #tpu.memory_space<semaphore_mem>>)
    %scan3A_373 = arith.constant 0 : i32
    %scan3A_374 = arith.constant 8 : i32
    %scan3A_375 = arith.constant 8 : i32
    %scan3A_376 = arith.addi %scan3A_374, %scan3A_375 : i32
    %scan3A_377 = arith.constant 1 : i32
    scf.for %scan3A_433 = %scan3A_374 to %scan3A_376 step %scan3A_377  : i32 {
      %mul3A_434 = arith.constant 16 : i32
      %mul3A_435 = arith.muli %scan3A_433, %mul3A_434 : i32
      %add3A_436 = vector.broadcast %mul3A_435 : i32 to vector<16xi32>
      %add3A_437 = arith.addi %add3A_436, %iota3A : vector<16xi32>
      %scan3A_438 = arith.constant 0 : i32
      %scan3A_439 = arith.constant 8 : i32
      %scan3A_440 = arith.addi %scan3A_438, %scan3A_439 : i32
      %scan3A_441 = arith.constant 1 : i32
      %scan3A_442:4 = scf.for %scan3A_450 = %scan3A_438 to %scan3A_440 step %scan3A_441 iter_args(%scan3A_451 = %broadcast_in_dim3A_287, %scan3A_452 = %broadcast_in_dim3A_287, %scan3A_453 = %broadcast_in_dim3A_287, %scan3A_454 = %broadcast_in_dim3A_287) -> (vector<16xf32>, vector<16xf32>, vector<16xf32>, vector<16xf32>)  : i32 {
        %mul3A_455 = arith.constant 8 : i32
        %mul3A_456 = arith.muli %scan3A_450, %mul3A_455 : i32
        %broadcast_in_dim3A_457 = arith.constant 1 : i32
        %broadcast_in_dim3A_458 = vector.broadcast %broadcast_in_dim3A_457 : i32 to vector<16xi32>
        %add3A_459 = arith.constant 0 : i32
        %add3A_460 = arith.addi %mul3A_456, %add3A_459 : i32
        %mul3A_461 = vector.broadcast %add3A_460 : i32 to vector<16xi32>
        %mul3A_462 = arith.muli %broadcast_in_dim3A_458, %mul3A_461 : vector<16xi32>
        %gather3A = tpu.vector_load_idx %arg8[%add3A_437, %mul3A_462] : memref<512x64xf32, #tpu.memory_space<vmem>>[vector<16xi32>, vector<16xi32>], vector<16xf32>,
        %gather3A_463 = tpu.vector_load_idx %arg9[%add3A_437, %mul3A_462] : memref<512x64xf32, #tpu.memory_space<vmem>>[vector<16xi32>, vector<16xi32>], vector<16xf32>,
        %mul3A_464 = arith.mulf %gather3A, %gather3A_463 : vector<16xf32>
        %add3A_465 = arith.addf %scan3A_451, %mul3A_464 : vector<16xf32>
        %broadcast_in_dim3A_466 = arith.constant 1 : i32
        %broadcast_in_dim3A_467 = vector.broadcast %broadcast_in_dim3A_466 : i32 to vector<16xi32>
        %add3A_468 = arith.constant 1 : i32
        %add3A_469 = arith.addi %mul3A_456, %add3A_468 : i32
        %mul3A_470 = vector.broadcast %add3A_469 : i32 to vector<16xi32>
        %mul3A_471 = arith.muli %broadcast_in_dim3A_467, %mul3A_470 : vector<16xi32>
        %gather3A_472 = tpu.vector_load_idx %arg8[%add3A_437, %mul3A_471] : memref<512x64xf32, #tpu.memory_space<vmem>>[vector<16xi32>, vector<16xi32>], vector<16xf32>,
        %gather3A_473 = tpu.vector_load_idx %arg9[%add3A_437, %mul3A_471] : memref<512x64xf32, #tpu.memory_space<vmem>>[vector<16xi32>, vector<16xi32>], vector<16xf32>,
        %mul3A_474 = arith.mulf %gather3A_472, %gather3A_473 : vector<16xf32>
        %add3A_475 = arith.addf %scan3A_452, %mul3A_474 : vector<16xf32>
        %broadcast_in_dim3A_476 = arith.constant 1 : i32
        %broadcast_in_dim3A_477 = vector.broadcast %broadcast_in_dim3A_476 : i32 to vector<16xi32>
        %add3A_478 = arith.constant 2 : i32
        %add3A_479 = arith.addi %mul3A_456, %add3A_478 : i32
        %mul3A_480 = vector.broadcast %add3A_479 : i32 to vector<16xi32>
        %mul3A_481 = arith.muli %broadcast_in_dim3A_477, %mul3A_480 : vector<16xi32>
        %gather3A_482 = tpu.vector_load_idx %arg8[%add3A_437, %mul3A_481] : memref<512x64xf32, #tpu.memory_space<vmem>>[vector<16xi32>, vector<16xi32>], vector<16xf32>,
        %gather3A_483 = tpu.vector_load_idx %arg9[%add3A_437, %mul3A_481] : memref<512x64xf32, #tpu.memory_space<vmem>>[vector<16xi32>, vector<16xi32>], vector<16xf32>,
        %mul3A_484 = arith.mulf %gather3A_482, %gather3A_483 : vector<16xf32>
        %add3A_485 = arith.addf %scan3A_453, %mul3A_484 : vector<16xf32>
        %broadcast_in_dim3A_486 = arith.constant 1 : i32
        %broadcast_in_dim3A_487 = vector.broadcast %broadcast_in_dim3A_486 : i32 to vector<16xi32>
        %add3A_488 = arith.constant 3 : i32
        %add3A_489 = arith.addi %mul3A_456, %add3A_488 : i32
        %mul3A_490 = vector.broadcast %add3A_489 : i32 to vector<16xi32>
        %mul3A_491 = arith.muli %broadcast_in_dim3A_487, %mul3A_490 : vector<16xi32>
        %gather3A_492 = tpu.vector_load_idx %arg8[%add3A_437, %mul3A_491] : memref<512x64xf32, #tpu.memory_space<vmem>>[vector<16xi32>, vector<16xi32>], vector<16xf32>,
        %gather3A_493 = tpu.vector_load_idx %arg9[%add3A_437, %mul3A_491] : memref<512x64xf32, #tpu.memory_space<vmem>>[vector<16xi32>, vector<16xi32>], vector<16xf32>,
        %mul3A_494 = arith.mulf %gather3A_492, %gather3A_493 : vector<16xf32>
        %add3A_495 = arith.addf %scan3A_454, %mul3A_494 : vector<16xf32>
        %broadcast_in_dim3A_496 = arith.constant 1 : i32
        %broadcast_in_dim3A_497 = vector.broadcast %broadcast_in_dim3A_496 : i32 to vector<16xi32>
        %add3A_498 = arith.constant 4 : i32
        %add3A_499 = arith.addi %mul3A_456, %add3A_498 : i32
        %mul3A_500 = vector.broadcast %add3A_499 : i32 to vector<16xi32>
        %mul3A_501 = arith.muli %broadcast_in_dim3A_497, %mul3A_500 : vector<16xi32>
        %gather3A_502 = tpu.vector_load_idx %arg8[%add3A_437, %mul3A_501] : memref<512x64xf32, #tpu.memory_space<vmem>>[vector<16xi32>, vector<16xi32>], vector<16xf32>,
        %gather3A_503 = tpu.vector_load_idx %arg9[%add3A_437, %mul3A_501] : memref<512x64xf32, #tpu.memory_space<vmem>>[vector<16xi32>, vector<16xi32>], vector<16xf32>,
        %mul3A_504 = arith.mulf %gather3A_502, %gather3A_503 : vector<16xf32>
        %add3A_505 = arith.addf %add3A_465, %mul3A_504 : vector<16xf32>
        %broadcast_in_dim3A_506 = arith.constant 1 : i32
        %broadcast_in_dim3A_507 = vector.broadcast %broadcast_in_dim3A_506 : i32 to vector<16xi32>
        %add3A_508 = arith.constant 5 : i32
        %add3A_509 = arith.addi %mul3A_456, %add3A_508 : i32
        %mul3A_510 = vector.broadcast %add3A_509 : i32 to vector<16xi32>
        %mul3A_511 = arith.muli %broadcast_in_dim3A_507, %mul3A_510 : vector<16xi32>
        %gather3A_512 = tpu.vector_load_idx %arg8[%add3A_437, %mul3A_511] : memref<512x64xf32, #tpu.memory_space<vmem>>[vector<16xi32>, vector<16xi32>], vector<16xf32>,
        %gather3A_513 = tpu.vector_load_idx %arg9[%add3A_437, %mul3A_511] : memref<512x64xf32, #tpu.memory_space<vmem>>[vector<16xi32>, vector<16xi32>], vector<16xf32>,
        %mul3A_514 = arith.mulf %gather3A_512, %gather3A_513 : vector<16xf32>
        %add3A_515 = arith.addf %add3A_475, %mul3A_514 : vector<16xf32>
        %broadcast_in_dim3A_516 = arith.constant 1 : i32
        %broadcast_in_dim3A_517 = vector.broadcast %broadcast_in_dim3A_516 : i32 to vector<16xi32>
        %add3A_518 = arith.constant 6 : i32
        %add3A_519 = arith.addi %mul3A_456, %add3A_518 : i32
        %mul3A_520 = vector.broadcast %add3A_519 : i32 to vector<16xi32>
        %mul3A_521 = arith.muli %broadcast_in_dim3A_517, %mul3A_520 : vector<16xi32>
        %gather3A_522 = tpu.vector_load_idx %arg8[%add3A_437, %mul3A_521] : memref<512x64xf32, #tpu.memory_space<vmem>>[vector<16xi32>, vector<16xi32>], vector<16xf32>,
        %gather3A_523 = tpu.vector_load_idx %arg9[%add3A_437, %mul3A_521] : memref<512x64xf32, #tpu.memory_space<vmem>>[vector<16xi32>, vector<16xi32>], vector<16xf32>,
        %mul3A_524 = arith.mulf %gather3A_522, %gather3A_523 : vector<16xf32>
        %add3A_525 = arith.addf %add3A_485, %mul3A_524 : vector<16xf32>
        %broadcast_in_dim3A_526 = arith.constant 1 : i32
        %broadcast_in_dim3A_527 = vector.broadcast %broadcast_in_dim3A_526 : i32 to vector<16xi32>
        %add3A_528 = arith.constant 7 : i32
        %add3A_529 = arith.addi %mul3A_456, %add3A_528 : i32
        %mul3A_530 = vector.broadcast %add3A_529 : i32 to vector<16xi32>
        %mul3A_531 = arith.muli %broadcast_in_dim3A_527, %mul3A_530 : vector<16xi32>
        %gather3A_532 = tpu.vector_load_idx %arg8[%add3A_437, %mul3A_531] : memref<512x64xf32, #tpu.memory_space<vmem>>[vector<16xi32>, vector<16xi32>], vector<16xf32>,
        %gather3A_533 = tpu.vector_load_idx %arg9[%add3A_437, %mul3A_531] : memref<512x64xf32, #tpu.memory_space<vmem>>[vector<16xi32>, vector<16xi32>], vector<16xf32>,
        %mul3A_534 = arith.mulf %gather3A_532, %gather3A_533 : vector<16xf32>
        %add3A_535 = arith.addf %add3A_495, %mul3A_534 : vector<16xf32>
        scf.yield %add3A_505, %add3A_515, %add3A_525, %add3A_535 : vector<16xf32>, vector<16xf32>, vector<16xf32>, vector<16xf32>
      }
      %scan3A_443 = arith.constant 8 : i32
      %add3A_444 = arith.addf %scan3A_442#0, %scan3A_442#1 : vector<16xf32>
      %add3A_445 = arith.addf %scan3A_442#2, %scan3A_442#3 : vector<16xf32>
      %add3A_446 = arith.addf %add3A_444, %add3A_445 : vector<16xf32>
      %mul3A_447 = arith.constant 16 : i32
      %mul3A_448 = arith.muli %scan3A_433, %mul3A_447 : i32
      %swap3A = arith.index_cast %mul3A_448 : i32 to index
      %swap3A_449 = tpu.vector_load %arg10[%swap3A] {strides = array<i32>} : memref<512xf32, #tpu.memory_space<vmem>>, vector<16xf32>,
      tpu.vector_store %arg10[%swap3A], %add3A_446 {strides = array<i32>} : memref<512xf32, #tpu.memory_space<vmem>>, vector<16xf32>,
    }
    %scan3A_378 = arith.constant 8 : i32
    %dma_wait3A_379 = arith.constant 2 : i32
    %dma_wait3A_380 = arith.constant 256 : i32
    %dma_wait3A_381 = arith.constant 0 : i32
    %dma_wait3A_382 = tpu.memref_slice %arg8[%dma_wait3A_380, %dma_wait3A_381] : memref<512x64xf32, #tpu.memory_space<vmem>> -> memref<128x64xf32, #tpu.memory_space<vmem>>
    %dma_wait3A_383 = arith.constant 0 : i32
    %dma_wait3A_384 = tpu.memref_slice %arg6[%dma_wait3A_379, %dma_wait3A_383] : memref<4x128xi32, #tpu.memory_space<vmem>> -> memref<1x128xi32, #tpu.memory_space<vmem>>
    %dma_wait3A_385 = tpu.memref_squeeze %dma_wait3A_384 : memref<1x128xi32, #tpu.memory_space<vmem>> -> memref<128xi32, #tpu.memory_space<vmem>>
    %dma_wait3A_386 = arith.constant 0 : i32
    %dma_wait3A_387 = arith.constant 0 : i32
    %dma_wait3A_388 = tpu.memref_slice %arg3[%dma_wait3A_386, %dma_wait3A_387] : memref<100001x64xf32, #tpu.memory_space<hbm>> -> memref<100001x64xf32, #tpu.memory_space<hbm>>
    tpu.wait_indirect_dma semaphore(%arg15 : memref<!tpu.dma_semaphore, #tpu.memory_space<semaphore_mem>>) src(%dma_wait3A_388 : memref<100001x64xf32, #tpu.memory_space<hbm>>) dst(%dma_wait3A_382 : memref<128x64xf32, #tpu.memory_space<vmem>>)
    %dma_wait3A_389 = arith.constant 2 : i32
    %dma_wait3A_390 = arith.constant 256 : i32
    %dma_wait3A_391 = arith.constant 0 : i32
    %dma_wait3A_392 = tpu.memref_slice %arg9[%dma_wait3A_390, %dma_wait3A_391] : memref<512x64xf32, #tpu.memory_space<vmem>> -> memref<128x64xf32, #tpu.memory_space<vmem>>
    %dma_wait3A_393 = arith.constant 0 : i32
    %dma_wait3A_394 = tpu.memref_slice %arg7[%dma_wait3A_389, %dma_wait3A_393] : memref<4x128xi32, #tpu.memory_space<vmem>> -> memref<1x128xi32, #tpu.memory_space<vmem>>
    %dma_wait3A_395 = tpu.memref_squeeze %dma_wait3A_394 : memref<1x128xi32, #tpu.memory_space<vmem>> -> memref<128xi32, #tpu.memory_space<vmem>>
    %dma_wait3A_396 = arith.constant 0 : i32
    %dma_wait3A_397 = arith.constant 0 : i32
    %dma_wait3A_398 = tpu.memref_slice %arg4[%dma_wait3A_396, %dma_wait3A_397] : memref<100001x64xf32, #tpu.memory_space<hbm>> -> memref<100001x64xf32, #tpu.memory_space<hbm>>
    tpu.wait_indirect_dma semaphore(%arg16 : memref<!tpu.dma_semaphore, #tpu.memory_space<semaphore_mem>>) src(%dma_wait3A_398 : memref<100001x64xf32, #tpu.memory_space<hbm>>) dst(%dma_wait3A_392 : memref<128x64xf32, #tpu.memory_space<vmem>>)
    %scan3A_399 = arith.constant 0 : i32
    %scan3A_400 = arith.constant 16 : i32
    %scan3A_401 = arith.constant 8 : i32
    %scan3A_402 = arith.addi %scan3A_400, %scan3A_401 : i32
    %scan3A_403 = arith.constant 1 : i32
    scf.for %scan3A_433 = %scan3A_400 to %scan3A_402 step %scan3A_403  : i32 {
      %mul3A_434 = arith.constant 16 : i32
      %mul3A_435 = arith.muli %scan3A_433, %mul3A_434 : i32
      %add3A_436 = vector.broadcast %mul3A_435 : i32 to vector<16xi32>
      %add3A_437 = arith.addi %add3A_436, %iota3A : vector<16xi32>
      %scan3A_438 = arith.constant 0 : i32
      %scan3A_439 = arith.constant 8 : i32
      %scan3A_440 = arith.addi %scan3A_438, %scan3A_439 : i32
      %scan3A_441 = arith.constant 1 : i32
      %scan3A_442:4 = scf.for %scan3A_450 = %scan3A_438 to %scan3A_440 step %scan3A_441 iter_args(%scan3A_451 = %broadcast_in_dim3A_287, %scan3A_452 = %broadcast_in_dim3A_287, %scan3A_453 = %broadcast_in_dim3A_287, %scan3A_454 = %broadcast_in_dim3A_287) -> (vector<16xf32>, vector<16xf32>, vector<16xf32>, vector<16xf32>)  : i32 {
        %mul3A_455 = arith.constant 8 : i32
        %mul3A_456 = arith.muli %scan3A_450, %mul3A_455 : i32
        %broadcast_in_dim3A_457 = arith.constant 1 : i32
        %broadcast_in_dim3A_458 = vector.broadcast %broadcast_in_dim3A_457 : i32 to vector<16xi32>
        %add3A_459 = arith.constant 0 : i32
        %add3A_460 = arith.addi %mul3A_456, %add3A_459 : i32
        %mul3A_461 = vector.broadcast %add3A_460 : i32 to vector<16xi32>
        %mul3A_462 = arith.muli %broadcast_in_dim3A_458, %mul3A_461 : vector<16xi32>
        %gather3A = tpu.vector_load_idx %arg8[%add3A_437, %mul3A_462] : memref<512x64xf32, #tpu.memory_space<vmem>>[vector<16xi32>, vector<16xi32>], vector<16xf32>,
        %gather3A_463 = tpu.vector_load_idx %arg9[%add3A_437, %mul3A_462] : memref<512x64xf32, #tpu.memory_space<vmem>>[vector<16xi32>, vector<16xi32>], vector<16xf32>,
        %mul3A_464 = arith.mulf %gather3A, %gather3A_463 : vector<16xf32>
        %add3A_465 = arith.addf %scan3A_451, %mul3A_464 : vector<16xf32>
        %broadcast_in_dim3A_466 = arith.constant 1 : i32
        %broadcast_in_dim3A_467 = vector.broadcast %broadcast_in_dim3A_466 : i32 to vector<16xi32>
        %add3A_468 = arith.constant 1 : i32
        %add3A_469 = arith.addi %mul3A_456, %add3A_468 : i32
        %mul3A_470 = vector.broadcast %add3A_469 : i32 to vector<16xi32>
        %mul3A_471 = arith.muli %broadcast_in_dim3A_467, %mul3A_470 : vector<16xi32>
        %gather3A_472 = tpu.vector_load_idx %arg8[%add3A_437, %mul3A_471] : memref<512x64xf32, #tpu.memory_space<vmem>>[vector<16xi32>, vector<16xi32>], vector<16xf32>,
        %gather3A_473 = tpu.vector_load_idx %arg9[%add3A_437, %mul3A_471] : memref<512x64xf32, #tpu.memory_space<vmem>>[vector<16xi32>, vector<16xi32>], vector<16xf32>,
        %mul3A_474 = arith.mulf %gather3A_472, %gather3A_473 : vector<16xf32>
        %add3A_475 = arith.addf %scan3A_452, %mul3A_474 : vector<16xf32>
        %broadcast_in_dim3A_476 = arith.constant 1 : i32
        %broadcast_in_dim3A_477 = vector.broadcast %broadcast_in_dim3A_476 : i32 to vector<16xi32>
        %add3A_478 = arith.constant 2 : i32
        %add3A_479 = arith.addi %mul3A_456, %add3A_478 : i32
        %mul3A_480 = vector.broadcast %add3A_479 : i32 to vector<16xi32>
        %mul3A_481 = arith.muli %broadcast_in_dim3A_477, %mul3A_480 : vector<16xi32>
        %gather3A_482 = tpu.vector_load_idx %arg8[%add3A_437, %mul3A_481] : memref<512x64xf32, #tpu.memory_space<vmem>>[vector<16xi32>, vector<16xi32>], vector<16xf32>,
        %gather3A_483 = tpu.vector_load_idx %arg9[%add3A_437, %mul3A_481] : memref<512x64xf32, #tpu.memory_space<vmem>>[vector<16xi32>, vector<16xi32>], vector<16xf32>,
        %mul3A_484 = arith.mulf %gather3A_482, %gather3A_483 : vector<16xf32>
        %add3A_485 = arith.addf %scan3A_453, %mul3A_484 : vector<16xf32>
        %broadcast_in_dim3A_486 = arith.constant 1 : i32
        %broadcast_in_dim3A_487 = vector.broadcast %broadcast_in_dim3A_486 : i32 to vector<16xi32>
        %add3A_488 = arith.constant 3 : i32
        %add3A_489 = arith.addi %mul3A_456, %add3A_488 : i32
        %mul3A_490 = vector.broadcast %add3A_489 : i32 to vector<16xi32>
        %mul3A_491 = arith.muli %broadcast_in_dim3A_487, %mul3A_490 : vector<16xi32>
        %gather3A_492 = tpu.vector_load_idx %arg8[%add3A_437, %mul3A_491] : memref<512x64xf32, #tpu.memory_space<vmem>>[vector<16xi32>, vector<16xi32>], vector<16xf32>,
        %gather3A_493 = tpu.vector_load_idx %arg9[%add3A_437, %mul3A_491] : memref<512x64xf32, #tpu.memory_space<vmem>>[vector<16xi32>, vector<16xi32>], vector<16xf32>,
        %mul3A_494 = arith.mulf %gather3A_492, %gather3A_493 : vector<16xf32>
        %add3A_495 = arith.addf %scan3A_454, %mul3A_494 : vector<16xf32>
        %broadcast_in_dim3A_496 = arith.constant 1 : i32
        %broadcast_in_dim3A_497 = vector.broadcast %broadcast_in_dim3A_496 : i32 to vector<16xi32>
        %add3A_498 = arith.constant 4 : i32
        %add3A_499 = arith.addi %mul3A_456, %add3A_498 : i32
        %mul3A_500 = vector.broadcast %add3A_499 : i32 to vector<16xi32>
        %mul3A_501 = arith.muli %broadcast_in_dim3A_497, %mul3A_500 : vector<16xi32>
        %gather3A_502 = tpu.vector_load_idx %arg8[%add3A_437, %mul3A_501] : memref<512x64xf32, #tpu.memory_space<vmem>>[vector<16xi32>, vector<16xi32>], vector<16xf32>,
        %gather3A_503 = tpu.vector_load_idx %arg9[%add3A_437, %mul3A_501] : memref<512x64xf32, #tpu.memory_space<vmem>>[vector<16xi32>, vector<16xi32>], vector<16xf32>,
        %mul3A_504 = arith.mulf %gather3A_502, %gather3A_503 : vector<16xf32>
        %add3A_505 = arith.addf %add3A_465, %mul3A_504 : vector<16xf32>
        %broadcast_in_dim3A_506 = arith.constant 1 : i32
        %broadcast_in_dim3A_507 = vector.broadcast %broadcast_in_dim3A_506 : i32 to vector<16xi32>
        %add3A_508 = arith.constant 5 : i32
        %add3A_509 = arith.addi %mul3A_456, %add3A_508 : i32
        %mul3A_510 = vector.broadcast %add3A_509 : i32 to vector<16xi32>
        %mul3A_511 = arith.muli %broadcast_in_dim3A_507, %mul3A_510 : vector<16xi32>
        %gather3A_512 = tpu.vector_load_idx %arg8[%add3A_437, %mul3A_511] : memref<512x64xf32, #tpu.memory_space<vmem>>[vector<16xi32>, vector<16xi32>], vector<16xf32>,
        %gather3A_513 = tpu.vector_load_idx %arg9[%add3A_437, %mul3A_511] : memref<512x64xf32, #tpu.memory_space<vmem>>[vector<16xi32>, vector<16xi32>], vector<16xf32>,
        %mul3A_514 = arith.mulf %gather3A_512, %gather3A_513 : vector<16xf32>
        %add3A_515 = arith.addf %add3A_475, %mul3A_514 : vector<16xf32>
        %broadcast_in_dim3A_516 = arith.constant 1 : i32
        %broadcast_in_dim3A_517 = vector.broadcast %broadcast_in_dim3A_516 : i32 to vector<16xi32>
        %add3A_518 = arith.constant 6 : i32
        %add3A_519 = arith.addi %mul3A_456, %add3A_518 : i32
        %mul3A_520 = vector.broadcast %add3A_519 : i32 to vector<16xi32>
        %mul3A_521 = arith.muli %broadcast_in_dim3A_517, %mul3A_520 : vector<16xi32>
        %gather3A_522 = tpu.vector_load_idx %arg8[%add3A_437, %mul3A_521] : memref<512x64xf32, #tpu.memory_space<vmem>>[vector<16xi32>, vector<16xi32>], vector<16xf32>,
        %gather3A_523 = tpu.vector_load_idx %arg9[%add3A_437, %mul3A_521] : memref<512x64xf32, #tpu.memory_space<vmem>>[vector<16xi32>, vector<16xi32>], vector<16xf32>,
        %mul3A_524 = arith.mulf %gather3A_522, %gather3A_523 : vector<16xf32>
        %add3A_525 = arith.addf %add3A_485, %mul3A_524 : vector<16xf32>
        %broadcast_in_dim3A_526 = arith.constant 1 : i32
        %broadcast_in_dim3A_527 = vector.broadcast %broadcast_in_dim3A_526 : i32 to vector<16xi32>
        %add3A_528 = arith.constant 7 : i32
        %add3A_529 = arith.addi %mul3A_456, %add3A_528 : i32
        %mul3A_530 = vector.broadcast %add3A_529 : i32 to vector<16xi32>
        %mul3A_531 = arith.muli %broadcast_in_dim3A_527, %mul3A_530 : vector<16xi32>
        %gather3A_532 = tpu.vector_load_idx %arg8[%add3A_437, %mul3A_531] : memref<512x64xf32, #tpu.memory_space<vmem>>[vector<16xi32>, vector<16xi32>], vector<16xf32>,
        %gather3A_533 = tpu.vector_load_idx %arg9[%add3A_437, %mul3A_531] : memref<512x64xf32, #tpu.memory_space<vmem>>[vector<16xi32>, vector<16xi32>], vector<16xf32>,
        %mul3A_534 = arith.mulf %gather3A_532, %gather3A_533 : vector<16xf32>
        %add3A_535 = arith.addf %add3A_495, %mul3A_534 : vector<16xf32>
        scf.yield %add3A_505, %add3A_515, %add3A_525, %add3A_535 : vector<16xf32>, vector<16xf32>, vector<16xf32>, vector<16xf32>
      }
      %scan3A_443 = arith.constant 8 : i32
      %add3A_444 = arith.addf %scan3A_442#0, %scan3A_442#1 : vector<16xf32>
      %add3A_445 = arith.addf %scan3A_442#2, %scan3A_442#3 : vector<16xf32>
      %add3A_446 = arith.addf %add3A_444, %add3A_445 : vector<16xf32>
      %mul3A_447 = arith.constant 16 : i32
      %mul3A_448 = arith.muli %scan3A_433, %mul3A_447 : i32
      %swap3A = arith.index_cast %mul3A_448 : i32 to index
      %swap3A_449 = tpu.vector_load %arg10[%swap3A] {strides = array<i32>} : memref<512xf32, #tpu.memory_space<vmem>>, vector<16xf32>,
      tpu.vector_store %arg10[%swap3A], %add3A_446 {strides = array<i32>} : memref<512xf32, #tpu.memory_space<vmem>>, vector<16xf32>,
    }
    %scan3A_404 = arith.constant 8 : i32
    %dma_wait3A_405 = arith.constant 3 : i32
    %dma_wait3A_406 = arith.constant 384 : i32
    %dma_wait3A_407 = arith.constant 0 : i32
    %dma_wait3A_408 = tpu.memref_slice %arg8[%dma_wait3A_406, %dma_wait3A_407] : memref<512x64xf32, #tpu.memory_space<vmem>> -> memref<128x64xf32, #tpu.memory_space<vmem>>
    %dma_wait3A_409 = arith.constant 0 : i32
    %dma_wait3A_410 = tpu.memref_slice %arg6[%dma_wait3A_405, %dma_wait3A_409] : memref<4x128xi32, #tpu.memory_space<vmem>> -> memref<1x128xi32, #tpu.memory_space<vmem>>
    %dma_wait3A_411 = tpu.memref_squeeze %dma_wait3A_410 : memref<1x128xi32, #tpu.memory_space<vmem>> -> memref<128xi32, #tpu.memory_space<vmem>>
    %dma_wait3A_412 = arith.constant 0 : i32
    %dma_wait3A_413 = arith.constant 0 : i32
    %dma_wait3A_414 = tpu.memref_slice %arg3[%dma_wait3A_412, %dma_wait3A_413] : memref<100001x64xf32, #tpu.memory_space<hbm>> -> memref<100001x64xf32, #tpu.memory_space<hbm>>
    tpu.wait_indirect_dma semaphore(%arg17 : memref<!tpu.dma_semaphore, #tpu.memory_space<semaphore_mem>>) src(%dma_wait3A_414 : memref<100001x64xf32, #tpu.memory_space<hbm>>) dst(%dma_wait3A_408 : memref<128x64xf32, #tpu.memory_space<vmem>>)
    %dma_wait3A_415 = arith.constant 3 : i32
    %dma_wait3A_416 = arith.constant 384 : i32
    %dma_wait3A_417 = arith.constant 0 : i32
    %dma_wait3A_418 = tpu.memref_slice %arg9[%dma_wait3A_416, %dma_wait3A_417] : memref<512x64xf32, #tpu.memory_space<vmem>> -> memref<128x64xf32, #tpu.memory_space<vmem>>
    %dma_wait3A_419 = arith.constant 0 : i32
    %dma_wait3A_420 = tpu.memref_slice %arg7[%dma_wait3A_415, %dma_wait3A_419] : memref<4x128xi32, #tpu.memory_space<vmem>> -> memref<1x128xi32, #tpu.memory_space<vmem>>
    %dma_wait3A_421 = tpu.memref_squeeze %dma_wait3A_420 : memref<1x128xi32, #tpu.memory_space<vmem>> -> memref<128xi32, #tpu.memory_space<vmem>>
    %dma_wait3A_422 = arith.constant 0 : i32
    %dma_wait3A_423 = arith.constant 0 : i32
    %dma_wait3A_424 = tpu.memref_slice %arg4[%dma_wait3A_422, %dma_wait3A_423] : memref<100001x64xf32, #tpu.memory_space<hbm>> -> memref<100001x64xf32, #tpu.memory_space<hbm>>
    tpu.wait_indirect_dma semaphore(%arg18 : memref<!tpu.dma_semaphore, #tpu.memory_space<semaphore_mem>>) src(%dma_wait3A_424 : memref<100001x64xf32, #tpu.memory_space<hbm>>) dst(%dma_wait3A_418 : memref<128x64xf32, #tpu.memory_space<vmem>>)
    %scan3A_425 = arith.constant 0 : i32
    %scan3A_426 = arith.constant 24 : i32
    %scan3A_427 = arith.constant 8 : i32
    %scan3A_428 = arith.addi %scan3A_426, %scan3A_427 : i32
    %scan3A_429 = arith.constant 1 : i32
    scf.for %scan3A_433 = %scan3A_426 to %scan3A_428 step %scan3A_429  : i32 {
      %mul3A_434 = arith.constant 16 : i32
      %mul3A_435 = arith.muli %scan3A_433, %mul3A_434 : i32
      %add3A_436 = vector.broadcast %mul3A_435 : i32 to vector<16xi32>
      %add3A_437 = arith.addi %add3A_436, %iota3A : vector<16xi32>
      %scan3A_438 = arith.constant 0 : i32
      %scan3A_439 = arith.constant 8 : i32
      %scan3A_440 = arith.addi %scan3A_438, %scan3A_439 : i32
      %scan3A_441 = arith.constant 1 : i32
      %scan3A_442:4 = scf.for %scan3A_450 = %scan3A_438 to %scan3A_440 step %scan3A_441 iter_args(%scan3A_451 = %broadcast_in_dim3A_287, %scan3A_452 = %broadcast_in_dim3A_287, %scan3A_453 = %broadcast_in_dim3A_287, %scan3A_454 = %broadcast_in_dim3A_287) -> (vector<16xf32>, vector<16xf32>, vector<16xf32>, vector<16xf32>)  : i32 {
        %mul3A_455 = arith.constant 8 : i32
        %mul3A_456 = arith.muli %scan3A_450, %mul3A_455 : i32
        %broadcast_in_dim3A_457 = arith.constant 1 : i32
        %broadcast_in_dim3A_458 = vector.broadcast %broadcast_in_dim3A_457 : i32 to vector<16xi32>
        %add3A_459 = arith.constant 0 : i32
        %add3A_460 = arith.addi %mul3A_456, %add3A_459 : i32
        %mul3A_461 = vector.broadcast %add3A_460 : i32 to vector<16xi32>
        %mul3A_462 = arith.muli %broadcast_in_dim3A_458, %mul3A_461 : vector<16xi32>
        %gather3A = tpu.vector_load_idx %arg8[%add3A_437, %mul3A_462] : memref<512x64xf32, #tpu.memory_space<vmem>>[vector<16xi32>, vector<16xi32>], vector<16xf32>,
        %gather3A_463 = tpu.vector_load_idx %arg9[%add3A_437, %mul3A_462] : memref<512x64xf32, #tpu.memory_space<vmem>>[vector<16xi32>, vector<16xi32>], vector<16xf32>,
        %mul3A_464 = arith.mulf %gather3A, %gather3A_463 : vector<16xf32>
        %add3A_465 = arith.addf %scan3A_451, %mul3A_464 : vector<16xf32>
        %broadcast_in_dim3A_466 = arith.constant 1 : i32
        %broadcast_in_dim3A_467 = vector.broadcast %broadcast_in_dim3A_466 : i32 to vector<16xi32>
        %add3A_468 = arith.constant 1 : i32
        %add3A_469 = arith.addi %mul3A_456, %add3A_468 : i32
        %mul3A_470 = vector.broadcast %add3A_469 : i32 to vector<16xi32>
        %mul3A_471 = arith.muli %broadcast_in_dim3A_467, %mul3A_470 : vector<16xi32>
        %gather3A_472 = tpu.vector_load_idx %arg8[%add3A_437, %mul3A_471] : memref<512x64xf32, #tpu.memory_space<vmem>>[vector<16xi32>, vector<16xi32>], vector<16xf32>,
        %gather3A_473 = tpu.vector_load_idx %arg9[%add3A_437, %mul3A_471] : memref<512x64xf32, #tpu.memory_space<vmem>>[vector<16xi32>, vector<16xi32>], vector<16xf32>,
        %mul3A_474 = arith.mulf %gather3A_472, %gather3A_473 : vector<16xf32>
        %add3A_475 = arith.addf %scan3A_452, %mul3A_474 : vector<16xf32>
        %broadcast_in_dim3A_476 = arith.constant 1 : i32
        %broadcast_in_dim3A_477 = vector.broadcast %broadcast_in_dim3A_476 : i32 to vector<16xi32>
        %add3A_478 = arith.constant 2 : i32
        %add3A_479 = arith.addi %mul3A_456, %add3A_478 : i32
        %mul3A_480 = vector.broadcast %add3A_479 : i32 to vector<16xi32>
        %mul3A_481 = arith.muli %broadcast_in_dim3A_477, %mul3A_480 : vector<16xi32>
        %gather3A_482 = tpu.vector_load_idx %arg8[%add3A_437, %mul3A_481] : memref<512x64xf32, #tpu.memory_space<vmem>>[vector<16xi32>, vector<16xi32>], vector<16xf32>,
        %gather3A_483 = tpu.vector_load_idx %arg9[%add3A_437, %mul3A_481] : memref<512x64xf32, #tpu.memory_space<vmem>>[vector<16xi32>, vector<16xi32>], vector<16xf32>,
        %mul3A_484 = arith.mulf %gather3A_482, %gather3A_483 : vector<16xf32>
        %add3A_485 = arith.addf %scan3A_453, %mul3A_484 : vector<16xf32>
        %broadcast_in_dim3A_486 = arith.constant 1 : i32
        %broadcast_in_dim3A_487 = vector.broadcast %broadcast_in_dim3A_486 : i32 to vector<16xi32>
        %add3A_488 = arith.constant 3 : i32
        %add3A_489 = arith.addi %mul3A_456, %add3A_488 : i32
        %mul3A_490 = vector.broadcast %add3A_489 : i32 to vector<16xi32>
        %mul3A_491 = arith.muli %broadcast_in_dim3A_487, %mul3A_490 : vector<16xi32>
        %gather3A_492 = tpu.vector_load_idx %arg8[%add3A_437, %mul3A_491] : memref<512x64xf32, #tpu.memory_space<vmem>>[vector<16xi32>, vector<16xi32>], vector<16xf32>,
        %gather3A_493 = tpu.vector_load_idx %arg9[%add3A_437, %mul3A_491] : memref<512x64xf32, #tpu.memory_space<vmem>>[vector<16xi32>, vector<16xi32>], vector<16xf32>,
        %mul3A_494 = arith.mulf %gather3A_492, %gather3A_493 : vector<16xf32>
        %add3A_495 = arith.addf %scan3A_454, %mul3A_494 : vector<16xf32>
        %broadcast_in_dim3A_496 = arith.constant 1 : i32
        %broadcast_in_dim3A_497 = vector.broadcast %broadcast_in_dim3A_496 : i32 to vector<16xi32>
        %add3A_498 = arith.constant 4 : i32
        %add3A_499 = arith.addi %mul3A_456, %add3A_498 : i32
        %mul3A_500 = vector.broadcast %add3A_499 : i32 to vector<16xi32>
        %mul3A_501 = arith.muli %broadcast_in_dim3A_497, %mul3A_500 : vector<16xi32>
        %gather3A_502 = tpu.vector_load_idx %arg8[%add3A_437, %mul3A_501] : memref<512x64xf32, #tpu.memory_space<vmem>>[vector<16xi32>, vector<16xi32>], vector<16xf32>,
        %gather3A_503 = tpu.vector_load_idx %arg9[%add3A_437, %mul3A_501] : memref<512x64xf32, #tpu.memory_space<vmem>>[vector<16xi32>, vector<16xi32>], vector<16xf32>,
        %mul3A_504 = arith.mulf %gather3A_502, %gather3A_503 : vector<16xf32>
        %add3A_505 = arith.addf %add3A_465, %mul3A_504 : vector<16xf32>
        %broadcast_in_dim3A_506 = arith.constant 1 : i32
        %broadcast_in_dim3A_507 = vector.broadcast %broadcast_in_dim3A_506 : i32 to vector<16xi32>
        %add3A_508 = arith.constant 5 : i32
        %add3A_509 = arith.addi %mul3A_456, %add3A_508 : i32
        %mul3A_510 = vector.broadcast %add3A_509 : i32 to vector<16xi32>
        %mul3A_511 = arith.muli %broadcast_in_dim3A_507, %mul3A_510 : vector<16xi32>
        %gather3A_512 = tpu.vector_load_idx %arg8[%add3A_437, %mul3A_511] : memref<512x64xf32, #tpu.memory_space<vmem>>[vector<16xi32>, vector<16xi32>], vector<16xf32>,
        %gather3A_513 = tpu.vector_load_idx %arg9[%add3A_437, %mul3A_511] : memref<512x64xf32, #tpu.memory_space<vmem>>[vector<16xi32>, vector<16xi32>], vector<16xf32>,
        %mul3A_514 = arith.mulf %gather3A_512, %gather3A_513 : vector<16xf32>
        %add3A_515 = arith.addf %add3A_475, %mul3A_514 : vector<16xf32>
        %broadcast_in_dim3A_516 = arith.constant 1 : i32
        %broadcast_in_dim3A_517 = vector.broadcast %broadcast_in_dim3A_516 : i32 to vector<16xi32>
        %add3A_518 = arith.constant 6 : i32
        %add3A_519 = arith.addi %mul3A_456, %add3A_518 : i32
        %mul3A_520 = vector.broadcast %add3A_519 : i32 to vector<16xi32>
        %mul3A_521 = arith.muli %broadcast_in_dim3A_517, %mul3A_520 : vector<16xi32>
        %gather3A_522 = tpu.vector_load_idx %arg8[%add3A_437, %mul3A_521] : memref<512x64xf32, #tpu.memory_space<vmem>>[vector<16xi32>, vector<16xi32>], vector<16xf32>,
        %gather3A_523 = tpu.vector_load_idx %arg9[%add3A_437, %mul3A_521] : memref<512x64xf32, #tpu.memory_space<vmem>>[vector<16xi32>, vector<16xi32>], vector<16xf32>,
        %mul3A_524 = arith.mulf %gather3A_522, %gather3A_523 : vector<16xf32>
        %add3A_525 = arith.addf %add3A_485, %mul3A_524 : vector<16xf32>
        %broadcast_in_dim3A_526 = arith.constant 1 : i32
        %broadcast_in_dim3A_527 = vector.broadcast %broadcast_in_dim3A_526 : i32 to vector<16xi32>
        %add3A_528 = arith.constant 7 : i32
        %add3A_529 = arith.addi %mul3A_456, %add3A_528 : i32
        %mul3A_530 = vector.broadcast %add3A_529 : i32 to vector<16xi32>
        %mul3A_531 = arith.muli %broadcast_in_dim3A_527, %mul3A_530 : vector<16xi32>
        %gather3A_532 = tpu.vector_load_idx %arg8[%add3A_437, %mul3A_531] : memref<512x64xf32, #tpu.memory_space<vmem>>[vector<16xi32>, vector<16xi32>], vector<16xf32>,
        %gather3A_533 = tpu.vector_load_idx %arg9[%add3A_437, %mul3A_531] : memref<512x64xf32, #tpu.memory_space<vmem>>[vector<16xi32>, vector<16xi32>], vector<16xf32>,
        %mul3A_534 = arith.mulf %gather3A_532, %gather3A_533 : vector<16xf32>
        %add3A_535 = arith.addf %add3A_495, %mul3A_534 : vector<16xf32>
        scf.yield %add3A_505, %add3A_515, %add3A_525, %add3A_535 : vector<16xf32>, vector<16xf32>, vector<16xf32>, vector<16xf32>
      }
      %scan3A_443 = arith.constant 8 : i32
      %add3A_444 = arith.addf %scan3A_442#0, %scan3A_442#1 : vector<16xf32>
      %add3A_445 = arith.addf %scan3A_442#2, %scan3A_442#3 : vector<16xf32>
      %add3A_446 = arith.addf %add3A_444, %add3A_445 : vector<16xf32>
      %mul3A_447 = arith.constant 16 : i32
      %mul3A_448 = arith.muli %scan3A_433, %mul3A_447 : i32
      %swap3A = arith.index_cast %mul3A_448 : i32 to index
      %swap3A_449 = tpu.vector_load %arg10[%swap3A] {strides = array<i32>} : memref<512xf32, #tpu.memory_space<vmem>>, vector<16xf32>,
      tpu.vector_store %arg10[%swap3A], %add3A_446 {strides = array<i32>} : memref<512xf32, #tpu.memory_space<vmem>>, vector<16xf32>,
    }
    %scan3A_430 = arith.constant 8 : i32
    %mul3A_431 = arith.constant 512 : i32
    %mul3A_432 = arith.muli %add3A, %mul3A_431 : i32
    "tpu.region"() ({
      %run_scoped3A = tpu.sem_alloc : memref<!tpu.dma_semaphore, #tpu.memory_space<semaphore_mem>>
      %dma_start3A_433 = tpu.memref_slice %arg5[%mul3A_432] : memref<16384xf32, #tpu.memory_space<hbm>> -> memref<512xf32, #tpu.memory_space<hbm>>
      %dma_start3A_434 = tpu.memref_slice %arg5[%mul3A_432] : memref<16384xf32, #tpu.memory_space<hbm>> -> memref<512xf32, #tpu.memory_space<hbm>>
      tpu.enqueue_dma source(%arg10 : memref<512xf32, #tpu.memory_space<vmem>>) target(%dma_start3A_434 : memref<512xf32, #tpu.memory_space<hbm>>) target_semaphore(%run_scoped3A : memref<!tpu.dma_semaphore, #tpu.memory_space<semaphore_mem>>)
      %dma_wait3A_435 = tpu.memref_slice %arg5[%mul3A_432] : memref<16384xf32, #tpu.memory_space<hbm>> -> memref<512xf32, #tpu.memory_space<hbm>>
      %dma_wait3A_436 = tpu.memref_slice %arg5[%mul3A_432] : memref<16384xf32, #tpu.memory_space<hbm>> -> memref<512xf32, #tpu.memory_space<hbm>>
      tpu.wait_dma2 semaphore(%run_scoped3A : memref<!tpu.dma_semaphore, #tpu.memory_space<semaphore_mem>>) src(%arg10 : memref<512xf32, #tpu.memory_space<vmem>>) dst(%dma_wait3A_436 : memref<512xf32, #tpu.memory_space<hbm>>)
      tpu.yield
    }) : () -> ()
    return
  }
}

</mosaic_0001>

<sc_bundles>
// kernel: _run.3.cloned.1.call-start
scs
__scs_entry_jumppad:
0x0: {  	(pc) =	sbr.rel $0x88, $3  }
0x1: {  	(tag) =	ssettag $0x0;
	lr =	simm.s32 $0x1  }
0x2: {  	[smem:$0x3F9E] =	sst lr;
	_ =	strace $0xD0000000  }
0x3: {  	_ = 	snop  }
0x4: {  	_ = 	snop  }
0x5: {  	_ = 	snop  }
0x6: {  	_ = 	snop  }
0x7: {  	_ = 	snop  }
__scs_overlays_trampoline_lowered:
0x8: {  	[smem:$0x3FAD] =	sst s0  }
0x9: {  	[smem:$0x3FAE] =	sst s1  }
0xa: {  	[smem:$0x3FAF] =	sst s2  }
0xb: {  	[smem:$0x3FB0] =	sst s3  }
0xc: {  	[smem:$0x3FB1] =	sst s4  }
0xd: {  	[smem:$0x3FB2] =	sst s5  }
0xe: {  	[smem:$0x3FB3] =	sst s6  }
0xf: {  	[smem:$0x3FB4] =	sst s7  }
0x10: {  	[smem:$0x3FB5] =	sst s8  }
0x11: {  	[smem:$0x3FB6] =	sst s9;
	s0 =	simm.s32 @!p0 $0x0  }
0x12: {  	s1 =	sld [smem:$0x3F9C];
	s0 =	simm.s32 @p0 $0x1  }
0x13: {  	[smem:$0x3FB7] =	sst s0;
	s0 =	simm.s32 @!p1 $0x0  }
0x14: {  	s2 =	sld [smem:$0x3F9B];
	s0 =	simm.s32 @p1 $0x1  }
0x15: {  	[smem:$0x3FB8] =	sst s0;
	s0 =	simm.s32 @!p2 $0x0  }
0x16: {  	s3 =	sld [smem:$0x3FDB];
	s0 =	simm.s32 @p2 $0x1  }
0x17: {  	s4 =	simm.s32 $0x1BF5;
	[smem:$0x3FBA] =	sst s0  }
0x18: {  	s0 =	sld [smem:$0x3F9D];
	_ =	swait.ge [sflag:s4], $0x0  }
0x19: {  	s7 =	sld [smem:$0x3F9E]  }
0x1a: {  	s8 =	sadd.s32 $0xFFFFE003, lr  }
0x1b: {  	s9 =	sadd.s32 $0xFFFFFEF7, lr;
	s5 =	simm.s32 $0xFFFFFFFF;
	p2 =	slt.u32 s8, $0xFFFFF086  }
0x1c: {  	p1 =	slt.u32 s9, $0xF7A;
	s5 =	simm.s32 @!p2 $0x0  }
0x1d: {  	s5 =	simm.s32 @p1 $0x1;
	p0 =	seq.s32 s7, s2  }
0x1e: {  	s7 =	smul.u32 @!p0 $0xF7A, s2;
	p2 =	seq.s32 @!p0 s5, $0x0  }
0x1f: {  	s9 =	smul.u32 $0xF7A, s1;
	s8 =	simm.s32 @!p0 $0x1BF5;
	p2 =	por !p2, p0  }
0x20: {  	[sflag:s8] =	ssyncset.s32 @!p0 $0xFFFFF086;
	s6 =	sadd.s32 @!p0 s3, s7;
	s7 =	simm.s32 @!p0 $0x108  }
0x21: {  	s3 =	sadd.s32 s3, s9;
	s6 =	sadd.s32 @!p0 $0x88, s6;
	s7 =	simm.s32 @p2 $0x1082  }
0x22: {  	[simem:s7], [sflag:s8] =	dma.local @!p0 [hbm:s6], $0xF7A  }
0x23: {  	s9 =	sor.u32 $0xD0000000, s2;
	s6 =	simm.s32 $0x108;
	_ =	swait.ge @!p0 [sflag:s8], $0x0  }
0x24: {  	s3 =	sadd.s32 $0x88, s3;
	s6 =	simm.s32 @!p1 $0x1082;
	[sflag:s4] =	ssyncset.s32 $0xFFFFF086  }
0x25: {  	[simem:s6], [sflag:s4] =	dma.local [hbm:s3], $0xF7A  }
0x26: {  	[smem:$0x3F9E] =	sst s1;
	(tag) =	ssettag s2;
	_ =	strace s9  }
0x27: {  	s1 =	sld [smem:$0x3FAE]  }
0x28: {  	s2 =	sld [smem:$0x3FAF]  }
0x29: {  	s4 =	sld [smem:$0x3FB1]  }
0x2a: {  	p0 =	seq.s32 s5, $0x0;
	s5 =	sld [smem:$0x3FB2]  }
0x2b: {  	s6 =	sld [smem:$0x3FB3]  }
0x2c: {  	s7 =	sld [smem:$0x3FB4]  }
0x2d: {  	s3 =	simm.s32 $0x108;
	s8 =	sld [smem:$0x3FB5]  }
0x2e: {  	s3 =	simm.s32 @!p0 $0x1082;
	s9 =	sld [smem:$0x3FB6]  }
0x2f: {  	lr =	sadd.s32 s0, s3;
	s0 =	sld [smem:$0x3FAD]  }
0x30: {  	s3 =	sld [smem:$0x3FB0]  }
0x31: {  	[smem:$0x3FB9] =	sst s10  }
0x32: {  	s10 =	sld [smem:$0x3FB7];
	_ =	sdelay $0x3  }
0x33: {  	p0 =	seq.s32 s10, $0x1;
	s10 =	sld [smem:$0x3FB9];
	_ =	sdelay $0x3  }
0x34: {  	[smem:$0x3FB9] =	sst s10  }
0x35: {  	s10 =	sld [smem:$0x3FB8];
	_ =	sdelay $0x3  }
0x36: {  	p1 =	seq.s32 s10, $0x1;
	s10 =	sld [smem:$0x3FB9];
	_ =	sdelay $0x3  }
0x37: {  	[smem:$0x3FB9] =	sst s10  }
0x38: {  	s10 =	sld [smem:$0x3FBA]  }
0x39: {  	_ = 	snop;
	(pc) =	sbr.ind lr, $3  }
0x3a: {  	_ = 	snop  }
0x3b: {  	_ = 	snop  }
0x3c: {  	p2 =	seq.s32 s10, $0x1;
	s10 =	sld [smem:$0x3FB9]  }
0x3d: {  	_ =	shalt  }
0x3e: {  	_ =	shalt  }
0x3f: {  	_ =	shalt  }
0x40: {  	_ =	shalt  }
0x41: {  	_ =	shalt  }
0x42: {  	_ =	shalt  }
0x43: {  	_ =	shalt  }
0x44: {  	_ =	shalt  }
0x45: {  	_ =	shalt  }
0x46: {  	_ =	shalt  }
0x47: {  	_ =	shalt  }
0x48: {  	_ =	shalt  }
0x49: {  	_ =	shalt  }
0x4a: {  	_ =	shalt  }
0x4b: {  	_ =	shalt  }
0x4c: {  	_ =	shalt  }
0x4d: {  	_ =	shalt  }
0x4e: {  	_ =	shalt  }
0x4f: {  	_ =	shalt  }
0x50: {  	_ =	shalt  }
0x51: {  	_ =	shalt  }
0x52: {  	_ =	shalt  }
0x53: {  	_ =	shalt  }
0x54: {  	_ =	shalt  }
0x55: {  	_ =	shalt  }
0x56: {  	_ =	shalt  }
0x57: {  	_ =	shalt  }
0x58: {  	_ =	shalt  }
0x59: {  	_ =	shalt  }
0x5a: {  	_ =	shalt  }
0x5b: {  	_ =	shalt  }
0x5c: {  	_ =	shalt  }
0x5d: {  	_ =	shalt  }
0x5e: {  	_ =	shalt  }
0x5f: {  	_ =	shalt  }
0x60: {  	_ =	shalt  }
0x61: {  	_ =	shalt  }
0x62: {  	_ =	shalt  }
0x63: {  	_ =	shalt  }
0x64: {  	_ =	shalt  }
0x65: {  	_ =	shalt  }
0x66: {  	_ =	shalt  }
0x67: {  	_ =	shalt  }
0x68: {  	_ =	shalt  }
0x69: {  	_ =	shalt  }
0x6a: {  	_ =	shalt  }
0x6b: {  	_ =	shalt  }
0x6c: {  	_ =	shalt  }
0x6d: {  	_ =	shalt  }
0x6e: {  	_ =	shalt  }
0x6f: {  	_ =	shalt  }
0x70: {  	_ =	shalt  }
0x71: {  	_ =	shalt  }
0x72: {  	_ =	shalt  }
0x73: {  	_ =	shalt  }
0x74: {  	_ =	shalt  }
0x75: {  	_ =	shalt  }
0x76: {  	_ =	shalt  }
0x77: {  	_ =	shalt  }
0x78: {  	_ =	shalt  }
0x79: {  	_ =	shalt  }
0x7a: {  	_ =	shalt  }
0x7b: {  	_ =	shalt  }
0x7c: {  	_ =	shalt  }
0x7d: {  	_ =	shalt  }
0x7e: {  	_ =	shalt  }
0x7f: {  	_ =	shalt  }
0x80: {  	_ =	shalt  }
0x81: {  	_ =	shalt  }
0x82: {  	_ =	shalt  }
0x83: {  	_ =	shalt  }
0x84: {  	_ =	shalt  }
0x85: {  	_ =	shalt  }
0x86: {  	_ =	shalt  }
0x87: {  	_ =	shalt  }
.Lfunc_end0:
.L_simem_size_0:
called_computation_lowered:
.L_overlay_start_0:
0x88: {  	s2 =	sld [smem:$0x3FD9]  }
0x89: {  	s3 =	sld [smem:$0x3FFE];
	_ =	sdelay $0x1  }
0x8a: {  	s1 =	srdreg.scid  }
0x8b: {  	s0 =	sand.u32 $0x1, s1  }
0x8c: {  	s17 =	sshll.u32 s0, $0xA;
	s2 =	sadd.s32 s3, s2  }
0x8d: {  	s2 =	sadd.s32 s2, s17  }
0x8e: {  	[smem:$0x3FC5] =	sst s2  }
0x8f: {  	_ = 	snop  }
0x90: {  	s2 =	sld [smem:$0x3FC9]  }
0x91: {  	s18 =	sld [smem:$0x3FD0];
	(tm) =	ssettm $0x1  }
0x92: {  	s4 =	sld [smem:$0x3FFB];
	_ =	sdelay $0x3  }
0x93: {  	_ =	strace s4  }
0x94: {  	s4 =	sld [smem:$0x3FFC];
	_ =	sdelay $0x3  }
0x95: {  	_ =	strace s4  }
0x96: {  	s4 =	sld [smem:$0x3FFD];
	_ =	sdelay $0x3  }
0x97: {  	_ =	strace s4  }
0x98: {  	_ =	strace $0x8FFFFFFF  }
0x99: {  	s19 =	sld [smem:$0x3FDB];
	_ =	sdelay $0x1  }
0x9a: {  	s5 =	simm.s32 $_scs_section_size  }
0x9b: {  	s6 =	simm.s32 $_size__tile_overlayer_lowered;
	s7 =	simm.s32 $_tile_overlayer_lowered  }
0x9c: {  	s22 =	simm.s32 $0x1BFF;
	s21 =	sshll.u32 s7, $0x1;
	s4 =	sadd.s32 s5, s19  }
0x9d: {  	s8 =	simm.s32 $0x0;
	s20 =	sshll.u32 s6, $0x1;
	s6 =	sadd.s32 s21, s4  }
0x9e: {  	[timem:s8], [sflag:s22] =	dma.local [hbm:s6], s20  }
0x9f: {  	_ =	swait.ge [sflag:s22], s20  }
0xa0: {  	s5 =	ssub.s32 $0x0, s20;
	[sflag:s22] =	ssyncset.done $0x0  }
0xa1: {  	[sflag:s22] =	ssyncadd.s32 s5;
	_ =	sdelay $0x1  }
0xa2: {  	s23 =	simm.s32 $0x1B8B  }
0xa3: {  	_ =	swait.ge [sflag:s23], $0x1  }
0xa4: {  	[sflag:s23] =	ssyncset.done $0x0  }
0xa5: {  	s25 =	simm.s32 $0x1B8E;
	s24 =	sld [smem:$0x3FFE];
	[sflag:s23] =	ssyncadd.s32 $0xFFFFFFFF  }
0xa6: {  	s26 =	simm.s32 $execute0_lowered;
	[smem:$0x3FD2] =	sst s25  }
0xa7: {  	s6 =	sshll.u32 s26, $0x1;
	_ =	strace $0x80000046;
	[dreg:$0x1] =	wrdreg $0xFFFFFFFF  }
0xa8: {  	s28 =	simm.s32 $_size_execute0_lowered;
	s4 =	sadd.s32 s4, s6;
	[dreg:$0x0] =	wrdreg $0x0  }
0xa9: {  	s6 =	sshll.u32 s28, $0x1;
	[dreg:$0x2] =	wrdreg s4  }
0xaa: {  	[dreg:$0x3] =	wrdreg s6  }
0xab: {  	[dreg:$0x4] =	wrdreg $0xC0  }
0xac: {  	_ =	task [dreg:s8], $0x5FFFF  }
0xad: {  	[dreg:$0x1] =	wrdreg $0xFFFFFFFF  }
0xae: {  	[dreg:$0x0] =	wrdreg $0x60  }
0xaf: {  	[dreg:$0x2] =	wrdreg s2  }
0xb0: {  	[dreg:$0x3] =	wrdreg s24  }
0xb1: {  	[dreg:$0x4] =	wrdreg s18  }
0xb2: {  	[dreg:$0x5] =	wrdreg $0x9  }
0xb3: {  	_ =	task.clear_ibuf [dreg:s8], $0x6FFFF;
	_ =	strace $0x90000046  }
0xb4: {  	s29 =	simm.s32 $0x9;
	_ =	strace $0x80000048  }
0xb5: {  	_ =	swait.ge [sflag:s29], $0x1  }
0xb6: {  	[sflag:s29] =	ssyncadd.s32 $0xFFFFFFFF  }
0xb7: {  	_ =	strace $0x90000048  }
0xb8: {  	_ =	sfence  }
0xb9: {  	s30 =	sld [smem:$0x0];
	_ =	sdelay $0x2  }
0xba: {  	s31 =	sshll.u32 s1, $0xD;
	s1 =	sshrl.u32 s1, $0x2  }
0xbb: {  	s3 =	sand.u32 $0x4000, s31;
	s1 =	sadd.s32 s1, s30  }
0xbc: {  	s0 =	sor.u32 s3, s0;
	s1 =	sshll.u32 s1, $0x11  }
0xbd: {  	s0 =	sor.u32 s1, s0  }
0xbe: {  	s0 =	sadd.s32 $0x8F2B, s0  }
0xbf: {  	[sflag:s0] =	ssyncadd.remote.s32 $0x1  }
0xc0: {  	_ =	sfence.sel $0xFFFF  }
0xc1: {  	[dreg:$0x0] =	wrdreg $0xFFFFFFFF;
	(pc) =	sbr.abs _section_cstart, $3  }
0xc2: {  	[dreg:$0x1] =	wrdreg $0xFFFFFFFF  }
0xc3: {  	_ =	task.clear_ibuf [dreg:s8], $0x2FFFF;
	_ =	strace $0x9FFFFFFF  }
0xc4: {  	(tm) =	ssettm $0x7FFFFFFF  }
0xc5: {  	_ =	shalt  }
tec
execute0_lowered:
.L_overlay_start_1:
0x0: {  	(tag) =	ssettag $0x1  }
0x1: {  	s0 =	rddreg [dreg:$0x0]  }
0x2: {  	s1 =	rddreg [dreg:$0x1]  }
0x3: {  	s13 =	rddreg [dreg:$0x2];
	s2 =	simm.s32 $0x0  }
0x4: {  	s3 =	srdreg.scid;
	s5 =	stileid.u32;
	s16 =	simm.s32 $0x80  }
0x5: {  	s20 =	simm.s32 $0x180;
	s21 =	simm.s32 $0x380;
	s22 =	simm.s32 $0x1  }
0x6: {  	s23 =	simm.s32 $0x2;
	s28 =	simm.s32 $0x6;
	s29 =	simm.s32 $0x7  }
0x7: {  	s30 =	simm.s32 $0x8;
	s31 =	simm.s32 $0x400;
	s15 =	simm.s32 $0x0  }
0x8: {  	[smem:$0x7FF] =	sst s2;
	s4 =	sand.u32 $0x1, s3;
	s5 =	sshll.u32 s5, $0x7  }
0x9: {  	s3 =	sadd.s32 $0x188C00, s1;
	_ =	strace $0x80000047;
	s6 =	sshll.u32 s4, $0x6  }
0xa: {  	s7 =	ssub.s32 $0x2, s4;
	s4 =	sadd.s32 $0x24C200, s1;
	s14 =	sor.u32 s6, s5  }
0xb: {  	s1 =	simm.s32 $0x9;
	s24 =	sshrl.u32 s7, $0x1;
	s5 =	sadd.s32 s0, s14  }
0xc: {  	s25 =	ssub.s32 s7, s24;
	s13 =	sadd.s32 s13, s14;
	s24 =	simm.s32 $0x3  }
0xd: {  	s0 =	simm.s32 $0x8400;
	s26 =	sadd.s32 $0x800, s5;
	s7 =	sadd.s32 $0x10, s5  }
0xe: {  	s8 =	sadd.s32 $0x810, s5;
	s9 =	sadd.s32 $0x20, s5;
	s10 =	sadd.s32 $0x820, s5  }
0xf: {  	v0 =	vlaneseq.u32;
	s11 =	sadd.s32 $0x30, s5;
	s12 =	sadd.s32 $0x830, s5;
	s14 =	smax.u32 s25, $0x1  }
0x10: {  	v0 =	vmul.u32 $0x40, v0;
	s25 =	simm.s32 $0x4;
	[dreg:$0x4] =	wrdreg s26;
	s26 =	simm.s32 $0x5  }
.LBB2_1:
0x11: {  	[tilespmem:s2], [sflag:$0x1] =	stream.linear.gather [hbm4b:s5+s2], $0x80, $0x38;
	[tilespmem:$0x10600] =	vst v63  }
0x12: {  	s17 =	simm.s32 $0x200;
	s6 =	rddreg [dreg:$0x4]  }
0x13: {  	[tilespmem:s17], [sflag:$0x2] =	stream.linear.gather [hbm4b:s6+s2], $0x80, $0x38;
	[tilespmem:$0x10600] =	vst v63  }
0x14: {  	_ = 	snop  }
0x15: {  	[tilespmem:s16], [sflag:$0x3] =	stream.linear.gather [hbm4b:s7+s2], $0x80, $0x38;
	[tilespmem:$0x10600] =	vst v63  }
0x16: {  	s18 =	simm.s32 $0x280  }
0x17: {  	[tilespmem:s18], [sflag:$0x4] =	stream.linear.gather [hbm4b:s8+s2], $0x80, $0x38;
	[tilespmem:$0x10600] =	vst v63  }
0x18: {  	s19 =	simm.s32 $0x100  }
0x19: {  	[tilespmem:s19], [sflag:$0x5] =	stream.linear.gather [hbm4b:s9+s2], $0x80, $0x38;
	[tilespmem:$0x10600] =	vst v63  }
0x1a: {  	s6 =	simm.s32 $0x300  }
0x1b: {  	[tilespmem:s6], [sflag:$0x6] =	stream.linear.gather [hbm4b:s10+s2], $0x80, $0x38;
	[tilespmem:$0x10600] =	vst v63  }
0x1c: {  	_ = 	snop  }
0x1d: {  	[tilespmem:s20], [sflag:$0x7] =	stream.linear.gather [hbm4b:s11+s2], $0x80, $0x38;
	[tilespmem:$0x10600] =	vst v63  }
0x1e: {  	_ = 	snop  }
0x1f: {  	[tilespmem:s21], [sflag:$0x8] =	stream.linear.gather [hbm4b:s12+s2], $0x80, $0x38;
	[tilespmem:$0x10600] =	vst v63  }
0x20: {  	_ =	swait.ge [sflag:s22], $0x80  }
0x21: {  	[sflag:s22] =	ssyncset.done $0x0  }
0x22: {  	[sflag:s22] =	ssyncadd.s32 $0xFFFFFF80  }
0x23: {  	_ =	swait.ge [sflag:s23], $0x80  }
0x24: {  	[sflag:s23] =	ssyncset.done $0x0  }
0x25: {  	[sflag:s23] =	ssyncadd.s32 $0xFFFFFF80  }
0x26: {  	_ =	swait.ge [sflag:s24], $0x80  }
0x27: {  	[sflag:s24] =	ssyncset.done $0x0  }
0x28: {  	[sflag:s24] =	ssyncadd.s32 $0xFFFFFF80  }
0x29: {  	_ =	swait.ge [sflag:s25], $0x80  }
0x2a: {  	[sflag:s25] =	ssyncset.done $0x0  }
0x2b: {  	[sflag:s25] =	ssyncadd.s32 $0xFFFFFF80  }
0x2c: {  	_ =	swait.ge [sflag:s26], $0x80  }
0x2d: {  	[sflag:s26] =	ssyncset.done $0x0  }
0x2e: {  	[sflag:s26] =	ssyncadd.s32 $0xFFFFFF80  }
0x2f: {  	_ =	swait.ge [sflag:s28], $0x80  }
0x30: {  	[sflag:s28] =	ssyncset.done $0x0  }
0x31: {  	[sflag:s28] =	ssyncadd.s32 $0xFFFFFF80  }
0x32: {  	_ =	swait.ge [sflag:s29], $0x80  }
0x33: {  	[sflag:s29] =	ssyncset.done $0x0  }
0x34: {  	[sflag:s29] =	ssyncadd.s32 $0xFFFFFF80  }
0x35: {  	_ =	swait.ge [sflag:s30], $0x80  }
0x36: {  	[sflag:s30] =	ssyncset.done $0x0  }
0x37: {  	[sflag:s30] =	ssyncadd.s32 $0xFFFFFF80  }
0x38: {  	[tilespmem:s31], [sflag:$0x1] =	stream.indirect.gather [hbm4b:s3+s16], $0x40, s2, s16, $0xb8;
	[tilespmem:$0x10600] =	vst v63  }
0x39: {  	_ = 	snop  }
0x3a: {  	[tilespmem:s0], [sflag:$0x2] =	stream.indirect.gather [hbm4b:s4+s16], $0x40, s17, s16, $0xb8;
	[tilespmem:$0x10600] =	vst v63  }
0x3b: {  	s17 =	simm.s32 $0x2400  }
0x3c: {  	[tilespmem:s17], [sflag:$0x3] =	stream.indirect.gather [hbm4b:s3+s16], $0x40, s16, s16, $0xb8;
	[tilespmem:$0x10600] =	vst v63  }
0x3d: {  	s17 =	simm.s32 $0xA400  }
0x3e: {  	[tilespmem:s17], [sflag:$0x4] =	stream.indirect.gather [hbm4b:s4+s16], $0x40, s18, s16, $0xb8;
	[tilespmem:$0x10600] =	vst v63  }
0x3f: {  	_ =	swait.ge [sflag:s22], $0x2000  }
0x40: {  	[sflag:s22] =	ssyncset.done $0x0  }
0x41: {  	[sflag:s22] =	ssyncadd.s32 $0xFFFFE000  }
0x42: {  	_ =	swait.ge [sflag:s23], $0x2000  }
0x43: {  	[sflag:s23] =	ssyncset.done $0x0  }
0x44: {  	s18 =	simm.s32 $0x4400;
	[sflag:s23] =	ssyncadd.s32 $0xFFFFE000  }
0x45: {  	[tilespmem:s18], [sflag:$0x5] =	stream.indirect.gather [hbm4b:s3+s16], $0x40, s19, s16, $0xb8;
	[tilespmem:$0x10600] =	vst v63  }
0x46: {  	s17 =	simm.s32 $0x0;
	s19 =	simm.s32 $0xC400  }
0x47: {  	[tilespmem:s19], [sflag:$0x6] =	stream.indirect.gather [hbm4b:s4+s16], $0x40, s6, s16, $0xb8;
	[tilespmem:$0x10600] =	vst v63  }
.LBB2_2:
0x48: {  	s19 =	simm.s32 $0x0  }
0x49: {  	s18 =	sshll.u32 s17, $0x4;
	v1 =	vmov s19  }
0x4a: {  	v2 =	vmov s18;
	v1 =	vshrl.u32 v1, $0x3  }
0x4b: {  	v2 =	vshll.u32 v2, $0x6;
	v3 =	vshll.u32 v1, $0x3  }
0x4c: {  	v1 =	vor.u32 v0, v2;
	v9 =	vbroadcast v3, $0x0  }
0x4d: {  	v2 =	vor.u32 $0x6, v1  }
0x4e: {  	v6 =	vadd.s32 v2, v9  }
0x4f: {  	v3 =	vor.u32 $0x4, v1  }
0x50: {  	v7 =	vadd.s32 v3, v9  }
0x51: {  	v4 =	vor.u32 $0x7, v1  }
0x52: {  	v5 =	vor.u32 $0x2, v1;
	v8 =	vadd.s32 v4, v9  }
0x53: {  	v10 =	vadd.s32 v5, v9;
	v19 =	vld.idx.msk [tilespmem:v6+s31+$0x0], $0xffff  }
0x54: {  	v25 =	vld.idx.msk [tilespmem:v6+s0+$0x0], $0xffff  }
0x55: {  	v12 =	vld.idx.msk [tilespmem:v7+s0+$0x0], $0xffff  }
0x56: {  	v11 =	vor.u32 v1, v9;
	v14 =	vld.idx.msk [tilespmem:v7+s31+$0x0], $0xffff  }
0x57: {  	v6 =	vor.u32 $0x1, v1;
	v15 =	vld.idx.msk [tilespmem:v8+s0+$0x0], $0xffff  }
0x58: {  	s6 =	simm.s32 $0x8;
	v17 =	vld.idx.msk [tilespmem:v10+s0+$0x0], $0xffff;
	v13 =	vadd.s32 v6, v9  }
0x59: {  	v16 =	vmov s6;
	v7 =	vor.u32 $0x3, v1;
	v23 =	vld.idx.msk [tilespmem:v8+s31+$0x0], $0xffff  }
0x5a: {  	v16 =	vshrl.u32 v16, $0x3;
	v22 =	vld.idx.msk [tilespmem:v10+s31+$0x0], $0xffff;
	v18 =	vadd.s32 v7, v9  }
0x5b: {  	v8 =	vor.u32 $0x5, v1;
	v10 =	vshll.u32 v16, $0x3;
	v16 =	vld.idx.msk [tilespmem:v11+s0+$0x0], $0xffff  }
0x5c: {  	v9 =	vadd.s32 v8, v9;
	v24 =	vbroadcast v10, $0x0;
	v10 =	vld.idx.msk [tilespmem:v11+s31+$0x0], $0xffff  }
0x5d: {  	v26 =	vld.idx.msk [tilespmem:v13+s0+$0x0], $0xffff  }
0x5e: {  	v27 =	vadd.s32 v2, v24;
	v28 =	vld.idx.msk [tilespmem:v13+s31+$0x0], $0xffff  }
0x5f: {  	v29 =	vld.idx.msk [tilespmem:v18+s0+$0x0], $0xffff  }
0x60: {  	v30 =	vadd.s32 v3, v24;
	v31 =	vld.idx.msk [tilespmem:v18+s31+$0x0], $0xffff  }
0x61: {  	v32 =	vld.idx.msk [tilespmem:v9+s0+$0x0], $0xffff  }
0x62: {  	v33 =	vimm.f32 $0.0e+00;
	v20 =	vadd.s32 v4, v24;
	v34 =	vld.idx.msk [tilespmem:v9+s31+$0x0], $0xffff  }
0x63: {  	v11 =	vor.u32 v1, v24;
	v21 =	vadd.s32 v5, v24;
	v9 =	vmul.f32 v16, v10;
	v16 =	vld.idx.msk [tilespmem:v27+s31+$0x0], $0xffff  }
0x64: {  	v35 =	vmul.f32 v17, v22;
	v17 =	vadd.s32 v7, v24;
	v23 =	vmul.f32 v15, v23;
	v18 =	vld.idx.msk [tilespmem:v27+s0+$0x0], $0xffff  }
0x65: {  	v10 =	vadd.s32 v8, v24;
	v27 =	vmul.f32 v12, v14;
	v12 =	vld.idx.msk [tilespmem:v30+s0+$0x0], $0xffff;
	v26 =	vmul.f32 v26, v28  }
0x66: {  	v13 =	vadd.s32 v6, v24;
	v14 =	vld.idx.msk [tilespmem:v30+s31+$0x0], $0xffff;
	v28 =	vadd.f32 v9, v33;
	v29 =	vmul.f32 v29, v31  }
0x67: {  	v24 =	vadd.f32 v35, v33;
	v9 =	vld.idx.msk [tilespmem:v20+s0+$0x0], $0xffff;
	v22 =	vadd.f32 v26, v33;
	v26 =	vmul.f32 v25, v19  }
0x68: {  	s19 =	simm.s32 $0x10;
	v15 =	vadd.f32 v27, v28;
	v19 =	vld.idx.msk [tilespmem:v21+s0+$0x0], $0xffff;
	v25 =	vadd.f32 v29, v33;
	v27 =	vmul.f32 v32, v34  }
.LBB2_3:
0x69: {  	v28 =	vmov s19;
	p0 =	sne.s32 s19, $0x38;
	s19 =	sadd.s32 $0x8, s19;
	v29 =	vld.idx.msk [tilespmem:v20+s31+$0x0], $0xffff;
	v24 =	vadd.f32 v26, v24;
	v26 =	vmov v16  }
0x6a: {  	v16 =	vshrl.u32 v28, $0x3;
	v28 =	vld.idx.msk [tilespmem:v21+s31+$0x0], $0xffff;
	v22 =	vadd.f32 v27, v22;
	v25 =	vadd.f32 v23, v25;
	v27 =	vmovc v18  }
0x6b: {  	v16 =	vshll.u32 v16, $0x3;
	v18 =	vld.idx.msk [tilespmem:v11+s0+$0x0], $0xffff  }
0x6c: {  	v23 =	vbroadcast v16, $0x0;
	v16 =	vld.idx.msk [tilespmem:v11+s31+$0x0], $0xffff  }
0x6d: {  	v30 =	vld.idx.msk [tilespmem:v13+s0+$0x0], $0xffff  }
0x6e: {  	v11 =	vor.u32 v1, v23;
	v31 =	vadd.s32 v8, v23;
	v32 =	vadd.s32 v2, v23;
	v33 =	vld.idx.msk [tilespmem:v13+s31+$0x0], $0xffff  }
0x6f: {  	v34 =	vadd.s32 v3, v23;
	v20 =	vadd.s32 v4, v23;
	v35 =	vld.idx.msk [tilespmem:v17+s0+$0x0], $0xffff  }
0x70: {  	v13 =	vadd.s32 v6, v23;
	v36 =	vld.idx.msk [tilespmem:v17+s31+$0x0], $0xffff  }
0x71: {  	v37 =	vld.idx.msk [tilespmem:v10+s0+$0x0], $0xffff  }
0x72: {  	v39 =	vmul.f32 v12, v14;
	v21 =	vadd.s32 v5, v23;
	v38 =	vmul.f32 v18, v16;
	v40 =	vld.idx.msk [tilespmem:v10+s31+$0x0], $0xffff  }
0x73: {  	v10 =	vmov v31;
	v16 =	vld.idx.msk [tilespmem:v32+s31+$0x0], $0xffff  }
.Ltmp0:
0x74: {  	v17 =	vadd.s32 v7, v23;
	v15 =	vadd.f32 v38, v15;
	v23 =	vmul.f32 v30, v33;
	v18 =	vld.idx.msk [tilespmem:v32+s0+$0x0], $0xffff;
	(pc) =	sbr.rel @p0 .LBB2_3-.Ltmp0, $4  }
0x75: {  	v19 =	vmul.f32 v19, v28;
	v12 =	vld.idx.msk [tilespmem:v34+s0+$0x0], $0xffff  }
0x76: {  	v22 =	vadd.f32 v23, v22;
	v28 =	vmul.f32 v35, v36;
	v23 =	vmul.f32 v9, v29;
	v14 =	vld.idx.msk [tilespmem:v34+s31+$0x0], $0xffff  }
0x77: {  	v26 =	vmul.f32 v27, v26;
	v24 =	vadd.f32 v19, v24;
	v15 =	vadd.f32 v39, v15;
	v9 =	vld.idx.msk [tilespmem:v20+s0+$0x0], $0xffff  }
0x78: {  	v25 =	vadd.f32 v28, v25;
	v27 =	vmul.f32 v37, v40;
	v19 =	vld.idx.msk [tilespmem:v21+s0+$0x0], $0xffff  }
0x79: {  	_ =	sdelay $0x3  }
0x7a: {  	v1 =	vld.idx.msk [tilespmem:v20+s31+$0x0], $0xffff  }
0x7b: {  	v2 =	vld.idx.msk [tilespmem:v21+s31+$0x0], $0xffff  }
0x7c: {  	v3 =	vld.idx.msk [tilespmem:v11+s0+$0x0], $0xffff  }
0x7d: {  	v4 =	vld.idx.msk [tilespmem:v11+s31+$0x0], $0xffff  }
0x7e: {  	v5 =	vld.idx.msk [tilespmem:v13+s0+$0x0], $0xffff  }
0x7f: {  	v6 =	vld.idx.msk [tilespmem:v13+s31+$0x0], $0xffff  }
0x80: {  	v7 =	vld.idx.msk [tilespmem:v17+s0+$0x0], $0xffff  }
0x81: {  	v8 =	vld.idx.msk [tilespmem:v17+s31+$0x0], $0xffff  }
0x82: {  	v56 =	vld.idx.msk [tilespmem:v10+s0+$0x0], $0xffff  }
0x83: {  	v57 =	vld.idx.msk [tilespmem:v10+s31+$0x0], $0xffff  }
0x84: {  	v58 =	vadd.f32 v26, v24;
	v62 =	vmul.f32 v18, v16;
	v61 =	vmul.f32 v12, v14  }
0x85: {  	v59 =	vadd.f32 v27, v22;
	v3 =	vmul.f32 v3, v4;
	v2 =	vmul.f32 v19, v2  }
0x86: {  	v60 =	vadd.f32 v23, v25;
	v5 =	vmul.f32 v5, v6;
	v7 =	vmul.f32 v7, v8  }
0x87: {  	v1 =	vmul.f32 v9, v1;
	v3 =	vadd.f32 v3, v15;
	v2 =	vadd.f32 v2, v58  }
0x88: {  	v63 =	vmul.f32 v56, v57;
	v5 =	vadd.f32 v5, v59;
	v4 =	vadd.f32 v7, v60  }
0x89: {  	v3 =	vadd.f32 v61, v3;
	v2 =	vadd.f32 v62, v2  }
0x8a: {  	s17 =	sadd.s32 $0x1, s17;
	v5 =	vadd.f32 v63, v5;
	v1 =	vadd.f32 v1, v4  }
0x8b: {  	p0 =	sne.s32 s17, $0x8  }
.Ltmp1:
0x8c: {  	v3 =	vadd.f32 v5, v3;
	v1 =	vadd.f32 v1, v2;
	(pc) =	sbr.rel @p0 .LBB2_2-.Ltmp1, $3  }
0x8d: {  	_ = 	snop  }
0x8e: {  	v1 =	vadd.f32 v1, v3;
	_ =	sdelay $0x1  }
0x8f: {  	[tilespmem:s18+$0x10400] =	vst v1  }
0x90: {  	_ =	swait.ge [sflag:s24], $0x2000  }
0x91: {  	[sflag:s24] =	ssyncset.done $0x0  }
0x92: {  	[sflag:s24] =	ssyncadd.s32 $0xFFFFE000  }
0x93: {  	_ =	swait.ge [sflag:s25], $0x2000  }
0x94: {  	[sflag:s25] =	ssyncset.done $0x0  }
0x95: {  	s6 =	simm.s32 $0x6400;
	[sflag:s25] =	ssyncadd.s32 $0xFFFFE000  }
0x96: {  	[tilespmem:s6], [sflag:$0x7] =	stream.indirect.gather [hbm4b:s3+s16], $0x40, s20, s16, $0xb8;
	[tilespmem:$0x10600] =	vst v63  }
0x97: {  	s19 =	simm.s32 $0xE400;
	s17 =	simm.s32 $0x8  }
0x98: {  	[tilespmem:s19], [sflag:$0x8] =	stream.indirect.gather [hbm4b:s4+s16], $0x40, s21, s16, $0xb8;
	[tilespmem:$0x10600] =	vst v63  }
.LBB2_6:
0x99: {  	s19 =	simm.s32 $0x0  }
0x9a: {  	s18 =	sshll.u32 s17, $0x4;
	v1 =	vmov s19  }
0x9b: {  	v2 =	vmov s18;
	v1 =	vshrl.u32 v1, $0x3  }
0x9c: {  	v2 =	vshll.u32 v2, $0x6;
	v3 =	vshll.u32 v1, $0x3  }
0x9d: {  	v1 =	vor.u32 v0, v2;
	v9 =	vbroadcast v3, $0x0  }
0x9e: {  	v2 =	vor.u32 $0x6, v1  }
0x9f: {  	v6 =	vadd.s32 v2, v9  }
0xa0: {  	v3 =	vor.u32 $0x4, v1  }
0xa1: {  	v7 =	vadd.s32 v3, v9  }
0xa2: {  	v4 =	vor.u32 $0x7, v1  }
0xa3: {  	v5 =	vor.u32 $0x2, v1;
	v8 =	vadd.s32 v4, v9  }
0xa4: {  	v10 =	vadd.s32 v5, v9;
	v19 =	vld.idx.msk [tilespmem:v6+s31+$0x0], $0xffff  }
0xa5: {  	v25 =	vld.idx.msk [tilespmem:v6+s0+$0x0], $0xffff  }
0xa6: {  	v12 =	vld.idx.msk [tilespmem:v7+s0+$0x0], $0xffff  }
0xa7: {  	v11 =	vor.u32 v1, v9;
	v14 =	vld.idx.msk [tilespmem:v7+s31+$0x0], $0xffff  }
0xa8: {  	v6 =	vor.u32 $0x1, v1;
	v15 =	vld.idx.msk [tilespmem:v8+s0+$0x0], $0xffff  }
0xa9: {  	s6 =	simm.s32 $0x8;
	v17 =	vld.idx.msk [tilespmem:v10+s0+$0x0], $0xffff;
	v13 =	vadd.s32 v6, v9  }
0xaa: {  	v16 =	vmov s6;
	v7 =	vor.u32 $0x3, v1;
	v23 =	vld.idx.msk [tilespmem:v8+s31+$0x0], $0xffff  }
0xab: {  	v16 =	vshrl.u32 v16, $0x3;
	v22 =	vld.idx.msk [tilespmem:v10+s31+$0x0], $0xffff;
	v18 =	vadd.s32 v7, v9  }
0xac: {  	v8 =	vor.u32 $0x5, v1;
	v10 =	vshll.u32 v16, $0x3;
	v16 =	vld.idx.msk [tilespmem:v11+s0+$0x0], $0xffff  }
0xad: {  	v9 =	vadd.s32 v8, v9;
	v24 =	vbroadcast v10, $0x0;
	v10 =	vld.idx.msk [tilespmem:v11+s31+$0x0], $0xffff  }
0xae: {  	v26 =	vld.idx.msk [tilespmem:v13+s0+$0x0], $0xffff  }
0xaf: {  	v27 =	vadd.s32 v2, v24;
	v28 =	vld.idx.msk [tilespmem:v13+s31+$0x0], $0xffff  }
0xb0: {  	v29 =	vld.idx.msk [tilespmem:v18+s0+$0x0], $0xffff  }
0xb1: {  	v30 =	vadd.s32 v3, v24;
	v31 =	vld.idx.msk [tilespmem:v18+s31+$0x0], $0xffff  }
0xb2: {  	v32 =	vld.idx.msk [tilespmem:v9+s0+$0x0], $0xffff  }
0xb3: {  	v33 =	vimm.f32 $0.0e+00;
	v20 =	vadd.s32 v4, v24;
	v34 =	vld.idx.msk [tilespmem:v9+s31+$0x0], $0xffff  }
0xb4: {  	v11 =	vor.u32 v1, v24;
	v21 =	vadd.s32 v5, v24;
	v9 =	vmul.f32 v16, v10;
	v16 =	vld.idx.msk [tilespmem:v27+s31+$0x0], $0xffff  }
0xb5: {  	v35 =	vmul.f32 v17, v22;
	v17 =	vadd.s32 v7, v24;
	v23 =	vmul.f32 v15, v23;
	v18 =	vld.idx.msk [tilespmem:v27+s0+$0x0], $0xffff  }
0xb6: {  	v10 =	vadd.s32 v8, v24;
	v27 =	vmul.f32 v12, v14;
	v12 =	vld.idx.msk [tilespmem:v30+s0+$0x0], $0xffff;
	v26 =	vmul.f32 v26, v28  }
0xb7: {  	v13 =	vadd.s32 v6, v24;
	v14 =	vld.idx.msk [tilespmem:v30+s31+$0x0], $0xffff;
	v28 =	vadd.f32 v9, v33;
	v29 =	vmul.f32 v29, v31  }
0xb8: {  	v24 =	vadd.f32 v35, v33;
	v9 =	vld.idx.msk [tilespmem:v20+s0+$0x0], $0xffff;
	v22 =	vadd.f32 v26, v33;
	v26 =	vmul.f32 v25, v19  }
0xb9: {  	s19 =	simm.s32 $0x10;
	v15 =	vadd.f32 v27, v28;
	v19 =	vld.idx.msk [tilespmem:v21+s0+$0x0], $0xffff;
	v25 =	vadd.f32 v29, v33;
	v27 =	vmul.f32 v32, v34  }
.LBB2_7:
0xba: {  	v28 =	vmov s19;
	p0 =	sne.s32 s19, $0x38;
	s19 =	sadd.s32 $0x8, s19;
	v29 =	vld.idx.msk [tilespmem:v20+s31+$0x0], $0xffff;
	v24 =	vadd.f32 v26, v24;
	v26 =	vmov v16  }
0xbb: {  	v16 =	vshrl.u32 v28, $0x3;
	v28 =	vld.idx.msk [tilespmem:v21+s31+$0x0], $0xffff;
	v22 =	vadd.f32 v27, v22;
	v25 =	vadd.f32 v23, v25;
	v27 =	vmovc v18  }
0xbc: {  	v16 =	vshll.u32 v16, $0x3;
	v18 =	vld.idx.msk [tilespmem:v11+s0+$0x0], $0xffff  }
0xbd: {  	v23 =	vbroadcast v16, $0x0;
	v16 =	vld.idx.msk [tilespmem:v11+s31+$0x0], $0xffff  }
0xbe: {  	v30 =	vld.idx.msk [tilespmem:v13+s0+$0x0], $0xffff  }
0xbf: {  	v11 =	vor.u32 v1, v23;
	v31 =	vadd.s32 v8, v23;
	v32 =	vadd.s32 v2, v23;
	v33 =	vld.idx.msk [tilespmem:v13+s31+$0x0], $0xffff  }
0xc0: {  	v34 =	vadd.s32 v3, v23;
	v20 =	vadd.s32 v4, v23;
	v35 =	vld.idx.msk [tilespmem:v17+s0+$0x0], $0xffff  }
0xc1: {  	v13 =	vadd.s32 v6, v23;
	v36 =	vld.idx.msk [tilespmem:v17+s31+$0x0], $0xffff  }
0xc2: {  	v37 =	vld.idx.msk [tilespmem:v10+s0+$0x0], $0xffff  }
0xc3: {  	v39 =	vmul.f32 v12, v14;
	v21 =	vadd.s32 v5, v23;
	v38 =	vmul.f32 v18, v16;
	v40 =	vld.idx.msk [tilespmem:v10+s31+$0x0], $0xffff  }
0xc4: {  	v10 =	vmov v31;
	v16 =	vld.idx.msk [tilespmem:v32+s31+$0x0], $0xffff  }
.Ltmp2:
0xc5: {  	v17 =	vadd.s32 v7, v23;
	v15 =	vadd.f32 v38, v15;
	v23 =	vmul.f32 v30, v33;
	v18 =	vld.idx.msk [tilespmem:v32+s0+$0x0], $0xffff;
	(pc) =	sbr.rel @p0 .LBB2_7-.Ltmp2, $4  }
0xc6: {  	v19 =	vmul.f32 v19, v28;
	v12 =	vld.idx.msk [tilespmem:v34+s0+$0x0], $0xffff  }
0xc7: {  	v22 =	vadd.f32 v23, v22;
	v28 =	vmul.f32 v35, v36;
	v23 =	vmul.f32 v9, v29;
	v14 =	vld.idx.msk [tilespmem:v34+s31+$0x0], $0xffff  }
0xc8: {  	v26 =	vmul.f32 v27, v26;
	v24 =	vadd.f32 v19, v24;
	v15 =	vadd.f32 v39, v15;
	v9 =	vld.idx.msk [tilespmem:v20+s0+$0x0], $0xffff  }
0xc9: {  	v25 =	vadd.f32 v28, v25;
	v27 =	vmul.f32 v37, v40;
	v19 =	vld.idx.msk [tilespmem:v21+s0+$0x0], $0xffff  }
0xca: {  	_ =	sdelay $0x3  }
0xcb: {  	v1 =	vld.idx.msk [tilespmem:v20+s31+$0x0], $0xffff  }
0xcc: {  	v2 =	vld.idx.msk [tilespmem:v21+s31+$0x0], $0xffff  }
0xcd: {  	v3 =	vld.idx.msk [tilespmem:v11+s0+$0x0], $0xffff  }
0xce: {  	v4 =	vld.idx.msk [tilespmem:v11+s31+$0x0], $0xffff  }
0xcf: {  	v5 =	vld.idx.msk [tilespmem:v13+s0+$0x0], $0xffff  }
0xd0: {  	v6 =	vld.idx.msk [tilespmem:v13+s31+$0x0], $0xffff  }
0xd1: {  	v7 =	vld.idx.msk [tilespmem:v17+s0+$0x0], $0xffff  }
0xd2: {  	v8 =	vld.idx.msk [tilespmem:v17+s31+$0x0], $0xffff  }
0xd3: {  	v56 =	vld.idx.msk [tilespmem:v10+s0+$0x0], $0xffff  }
0xd4: {  	v57 =	vld.idx.msk [tilespmem:v10+s31+$0x0], $0xffff  }
0xd5: {  	v58 =	vadd.f32 v26, v24;
	v62 =	vmul.f32 v18, v16;
	v61 =	vmul.f32 v12, v14  }
0xd6: {  	v59 =	vadd.f32 v27, v22;
	v3 =	vmul.f32 v3, v4;
	v2 =	vmul.f32 v19, v2  }
0xd7: {  	v60 =	vadd.f32 v23, v25;
	v5 =	vmul.f32 v5, v6;
	v7 =	vmul.f32 v7, v8  }
0xd8: {  	v1 =	vmul.f32 v9, v1;
	v3 =	vadd.f32 v3, v15;
	v2 =	vadd.f32 v2, v58  }
0xd9: {  	v63 =	vmul.f32 v56, v57;
	v5 =	vadd.f32 v5, v59;
	v4 =	vadd.f32 v7, v60  }
0xda: {  	v3 =	vadd.f32 v61, v3;
	v2 =	vadd.f32 v62, v2  }
0xdb: {  	s17 =	sadd.s32 $0x1, s17;
	v5 =	vadd.f32 v63, v5;
	v1 =	vadd.f32 v1, v4  }
0xdc: {  	p0 =	sne.s32 s17, $0x10  }
.Ltmp3:
0xdd: {  	v3 =	vadd.f32 v5, v3;
	v1 =	vadd.f32 v1, v2;
	(pc) =	sbr.rel @p0 .LBB2_6-.Ltmp3, $3  }
0xde: {  	_ = 	snop  }
0xdf: {  	v1 =	vadd.f32 v1, v3;
	_ =	sdelay $0x1  }
0xe0: {  	[tilespmem:s18+$0x10400] =	vst v1  }
0xe1: {  	_ =	swait.ge [sflag:s26], $0x2000  }
0xe2: {  	[sflag:s26] =	ssyncset.done $0x0  }
0xe3: {  	[sflag:s26] =	ssyncadd.s32 $0xFFFFE000  }
0xe4: {  	_ =	swait.ge [sflag:s28], $0x2000  }
0xe5: {  	[sflag:s28] =	ssyncset.done $0x0  }
0xe6: {  	s17 =	simm.s32 $0x10;
	[sflag:s28] =	ssyncadd.s32 $0xFFFFE000  }
.LBB2_10:
0xe7: {  	s19 =	simm.s32 $0x0  }
0xe8: {  	s18 =	sshll.u32 s17, $0x4;
	v1 =	vmov s19  }
0xe9: {  	v2 =	vmov s18;
	v1 =	vshrl.u32 v1, $0x3  }
0xea: {  	v2 =	vshll.u32 v2, $0x6;
	v3 =	vshll.u32 v1, $0x3  }
0xeb: {  	v1 =	vor.u32 v0, v2;
	v9 =	vbroadcast v3, $0x0  }
0xec: {  	v2 =	vor.u32 $0x6, v1  }
0xed: {  	v6 =	vadd.s32 v2, v9  }
0xee: {  	v3 =	vor.u32 $0x4, v1  }
0xef: {  	v7 =	vadd.s32 v3, v9  }
0xf0: {  	v4 =	vor.u32 $0x7, v1  }
0xf1: {  	v5 =	vor.u32 $0x2, v1;
	v8 =	vadd.s32 v4, v9  }
0xf2: {  	v10 =	vadd.s32 v5, v9;
	v19 =	vld.idx.msk [tilespmem:v6+s31+$0x0], $0xffff  }
0xf3: {  	v25 =	vld.idx.msk [tilespmem:v6+s0+$0x0], $0xffff  }
0xf4: {  	v12 =	vld.idx.msk [tilespmem:v7+s0+$0x0], $0xffff  }
0xf5: {  	v11 =	vor.u32 v1, v9;
	v14 =	vld.idx.msk [tilespmem:v7+s31+$0x0], $0xffff  }
0xf6: {  	v6 =	vor.u32 $0x1, v1;
	v15 =	vld.idx.msk [tilespmem:v8+s0+$0x0], $0xffff  }
0xf7: {  	s6 =	simm.s32 $0x8;
	v17 =	vld.idx.msk [tilespmem:v10+s0+$0x0], $0xffff;
	v13 =	vadd.s32 v6, v9  }
0xf8: {  	v16 =	vmov s6;
	v7 =	vor.u32 $0x3, v1;
	v23 =	vld.idx.msk [tilespmem:v8+s31+$0x0], $0xffff  }
0xf9: {  	v16 =	vshrl.u32 v16, $0x3;
	v22 =	vld.idx.msk [tilespmem:v10+s31+$0x0], $0xffff;
	v18 =	vadd.s32 v7, v9  }
0xfa: {  	v8 =	vor.u32 $0x5, v1;
	v10 =	vshll.u32 v16, $0x3;
	v16 =	vld.idx.msk [tilespmem:v11+s0+$0x0], $0xffff  }
0xfb: {  	v9 =	vadd.s32 v8, v9;
	v24 =	vbroadcast v10, $0x0;
	v10 =	vld.idx.msk [tilespmem:v11+s31+$0x0], $0xffff  }
0xfc: {  	v26 =	vld.idx.msk [tilespmem:v13+s0+$0x0], $0xffff  }
0xfd: {  	v27 =	vadd.s32 v2, v24;
	v28 =	vld.idx.msk [tilespmem:v13+s31+$0x0], $0xffff  }
0xfe: {  	v29 =	vld.idx.msk [tilespmem:v18+s0+$0x0], $0xffff  }
0xff: {  	v30 =	vadd.s32 v3, v24;
	v31 =	vld.idx.msk [tilespmem:v18+s31+$0x0], $0xffff  }
0x100: {  	v32 =	vld.idx.msk [tilespmem:v9+s0+$0x0], $0xffff  }
0x101: {  	v33 =	vimm.f32 $0.0e+00;
	v20 =	vadd.s32 v4, v24;
	v34 =	vld.idx.msk [tilespmem:v9+s31+$0x0], $0xffff  }
0x102: {  	v11 =	vor.u32 v1, v24;
	v21 =	vadd.s32 v5, v24;
	v9 =	vmul.f32 v16, v10;
	v16 =	vld.idx.msk [tilespmem:v27+s31+$0x0], $0xffff  }
0x103: {  	v35 =	vmul.f32 v17, v22;
	v17 =	vadd.s32 v7, v24;
	v23 =	vmul.f32 v15, v23;
	v18 =	vld.idx.msk [tilespmem:v27+s0+$0x0], $0xffff  }
0x104: {  	v10 =	vadd.s32 v8, v24;
	v27 =	vmul.f32 v12, v14;
	v12 =	vld.idx.msk [tilespmem:v30+s0+$0x0], $0xffff;
	v26 =	vmul.f32 v26, v28  }
0x105: {  	v13 =	vadd.s32 v6, v24;
	v14 =	vld.idx.msk [tilespmem:v30+s31+$0x0], $0xffff;
	v28 =	vadd.f32 v9, v33;
	v29 =	vmul.f32 v29, v31  }
0x106: {  	v24 =	vadd.f32 v35, v33;
	v9 =	vld.idx.msk [tilespmem:v20+s0+$0x0], $0xffff;
	v22 =	vadd.f32 v26, v33;
	v26 =	vmul.f32 v25, v19  }
0x107: {  	s19 =	simm.s32 $0x10;
	v15 =	vadd.f32 v27, v28;
	v19 =	vld.idx.msk [tilespmem:v21+s0+$0x0], $0xffff;
	v25 =	vadd.f32 v29, v33;
	v27 =	vmul.f32 v32, v34  }
.LBB2_11:
0x108: {  	v28 =	vmov s19;
	p0 =	sne.s32 s19, $0x38;
	s19 =	sadd.s32 $0x8, s19;
	v29 =	vld.idx.msk [tilespmem:v20+s31+$0x0], $0xffff;
	v24 =	vadd.f32 v26, v24;
	v26 =	vmov v16  }
0x109: {  	v16 =	vshrl.u32 v28, $0x3;
	v28 =	vld.idx.msk [tilespmem:v21+s31+$0x0], $0xffff;
	v22 =	vadd.f32 v27, v22;
	v25 =	vadd.f32 v23, v25;
	v27 =	vmovc v18  }
0x10a: {  	v16 =	vshll.u32 v16, $0x3;
	v18 =	vld.idx.msk [tilespmem:v11+s0+$0x0], $0xffff  }
0x10b: {  	v23 =	vbroadcast v16, $0x0;
	v16 =	vld.idx.msk [tilespmem:v11+s31+$0x0], $0xffff  }
0x10c: {  	v30 =	vld.idx.msk [tilespmem:v13+s0+$0x0], $0xffff  }
0x10d: {  	v11 =	vor.u32 v1, v23;
	v31 =	vadd.s32 v8, v23;
	v32 =	vadd.s32 v2, v23;
	v33 =	vld.idx.msk [tilespmem:v13+s31+$0x0], $0xffff  }
0x10e: {  	v34 =	vadd.s32 v3, v23;
	v20 =	vadd.s32 v4, v23;
	v35 =	vld.idx.msk [tilespmem:v17+s0+$0x0], $0xffff  }
0x10f: {  	v13 =	vadd.s32 v6, v23;
	v36 =	vld.idx.msk [tilespmem:v17+s31+$0x0], $0xffff  }
0x110: {  	v37 =	vld.idx.msk [tilespmem:v10+s0+$0x0], $0xffff  }
0x111: {  	v39 =	vmul.f32 v12, v14;
	v21 =	vadd.s32 v5, v23;
	v38 =	vmul.f32 v18, v16;
	v40 =	vld.idx.msk [tilespmem:v10+s31+$0x0], $0xffff  }
0x112: {  	v10 =	vmov v31;
	v16 =	vld.idx.msk [tilespmem:v32+s31+$0x0], $0xffff  }
.Ltmp4:
0x113: {  	v17 =	vadd.s32 v7, v23;
	v15 =	vadd.f32 v38, v15;
	v23 =	vmul.f32 v30, v33;
	v18 =	vld.idx.msk [tilespmem:v32+s0+$0x0], $0xffff;
	(pc) =	sbr.rel @p0 .LBB2_11-.Ltmp4, $4  }
0x114: {  	v19 =	vmul.f32 v19, v28;
	v12 =	vld.idx.msk [tilespmem:v34+s0+$0x0], $0xffff  }
0x115: {  	v22 =	vadd.f32 v23, v22;
	v28 =	vmul.f32 v35, v36;
	v23 =	vmul.f32 v9, v29;
	v14 =	vld.idx.msk [tilespmem:v34+s31+$0x0], $0xffff  }
0x116: {  	v26 =	vmul.f32 v27, v26;
	v24 =	vadd.f32 v19, v24;
	v15 =	vadd.f32 v39, v15;
	v9 =	vld.idx.msk [tilespmem:v20+s0+$0x0], $0xffff  }
0x117: {  	v25 =	vadd.f32 v28, v25;
	v27 =	vmul.f32 v37, v40;
	v19 =	vld.idx.msk [tilespmem:v21+s0+$0x0], $0xffff  }
0x118: {  	_ =	sdelay $0x3  }
0x119: {  	v1 =	vld.idx.msk [tilespmem:v20+s31+$0x0], $0xffff  }
0x11a: {  	v2 =	vld.idx.msk [tilespmem:v21+s31+$0x0], $0xffff  }
0x11b: {  	v3 =	vld.idx.msk [tilespmem:v11+s0+$0x0], $0xffff  }
0x11c: {  	v4 =	vld.idx.msk [tilespmem:v11+s31+$0x0], $0xffff  }
0x11d: {  	v5 =	vld.idx.msk [tilespmem:v13+s0+$0x0], $0xffff  }
0x11e: {  	v6 =	vld.idx.msk [tilespmem:v13+s31+$0x0], $0xffff  }
0x11f: {  	v7 =	vld.idx.msk [tilespmem:v17+s0+$0x0], $0xffff  }
0x120: {  	v8 =	vld.idx.msk [tilespmem:v17+s31+$0x0], $0xffff  }
0x121: {  	v56 =	vld.idx.msk [tilespmem:v10+s0+$0x0], $0xffff  }
0x122: {  	v57 =	vld.idx.msk [tilespmem:v10+s31+$0x0], $0xffff  }
0x123: {  	v58 =	vadd.f32 v26, v24;
	v62 =	vmul.f32 v18, v16;
	v61 =	vmul.f32 v12, v14  }
0x124: {  	v59 =	vadd.f32 v27, v22;
	v3 =	vmul.f32 v3, v4;
	v2 =	vmul.f32 v19, v2  }
0x125: {  	v60 =	vadd.f32 v23, v25;
	v5 =	vmul.f32 v5, v6;
	v7 =	vmul.f32 v7, v8  }
0x126: {  	v1 =	vmul.f32 v9, v1;
	v3 =	vadd.f32 v3, v15;
	v2 =	vadd.f32 v2, v58  }
0x127: {  	v63 =	vmul.f32 v56, v57;
	v5 =	vadd.f32 v5, v59;
	v4 =	vadd.f32 v7, v60  }
0x128: {  	v3 =	vadd.f32 v61, v3;
	v2 =	vadd.f32 v62, v2  }
0x129: {  	s17 =	sadd.s32 $0x1, s17;
	v5 =	vadd.f32 v63, v5;
	v1 =	vadd.f32 v1, v4  }
0x12a: {  	p0 =	sne.s32 s17, $0x18  }
.Ltmp5:
0x12b: {  	v3 =	vadd.f32 v5, v3;
	v1 =	vadd.f32 v1, v2;
	(pc) =	sbr.rel @p0 .LBB2_10-.Ltmp5, $3  }
0x12c: {  	_ = 	snop  }
0x12d: {  	v1 =	vadd.f32 v1, v3;
	_ =	sdelay $0x1  }
0x12e: {  	[tilespmem:s18+$0x10400] =	vst v1  }
0x12f: {  	_ =	swait.ge [sflag:s29], $0x2000  }
0x130: {  	[sflag:s29] =	ssyncset.done $0x0  }
0x131: {  	[sflag:s29] =	ssyncadd.s32 $0xFFFFE000  }
0x132: {  	_ =	swait.ge [sflag:s30], $0x2000  }
0x133: {  	[sflag:s30] =	ssyncset.done $0x0  }
0x134: {  	s17 =	simm.s32 $0x18;
	[sflag:s30] =	ssyncadd.s32 $0xFFFFE000  }
.LBB2_14:
0x135: {  	s19 =	simm.s32 $0x0  }
0x136: {  	s18 =	sshll.u32 s17, $0x4;
	v1 =	vmov s19  }
0x137: {  	v2 =	vmov s18;
	v1 =	vshrl.u32 v1, $0x3  }
0x138: {  	v2 =	vshll.u32 v2, $0x6;
	v3 =	vshll.u32 v1, $0x3  }
0x139: {  	v1 =	vor.u32 v0, v2;
	v9 =	vbroadcast v3, $0x0  }
0x13a: {  	v2 =	vor.u32 $0x6, v1  }
0x13b: {  	v6 =	vadd.s32 v2, v9  }
0x13c: {  	v3 =	vor.u32 $0x4, v1  }
0x13d: {  	v7 =	vadd.s32 v3, v9  }
0x13e: {  	v4 =	vor.u32 $0x7, v1  }
0x13f: {  	v5 =	vor.u32 $0x2, v1;
	v8 =	vadd.s32 v4, v9  }
0x140: {  	v10 =	vadd.s32 v5, v9;
	v19 =	vld.idx.msk [tilespmem:v6+s31+$0x0], $0xffff  }
0x141: {  	v25 =	vld.idx.msk [tilespmem:v6+s0+$0x0], $0xffff  }
0x142: {  	v12 =	vld.idx.msk [tilespmem:v7+s0+$0x0], $0xffff  }
0x143: {  	v11 =	vor.u32 v1, v9;
	v14 =	vld.idx.msk [tilespmem:v7+s31+$0x0], $0xffff  }
0x144: {  	v6 =	vor.u32 $0x1, v1;
	v15 =	vld.idx.msk [tilespmem:v8+s0+$0x0], $0xffff  }
0x145: {  	s6 =	simm.s32 $0x8;
	v17 =	vld.idx.msk [tilespmem:v10+s0+$0x0], $0xffff;
	v13 =	vadd.s32 v6, v9  }
0x146: {  	v16 =	vmov s6;
	v7 =	vor.u32 $0x3, v1;
	v23 =	vld.idx.msk [tilespmem:v8+s31+$0x0], $0xffff  }
0x147: {  	v16 =	vshrl.u32 v16, $0x3;
	v22 =	vld.idx.msk [tilespmem:v10+s31+$0x0], $0xffff;
	v18 =	vadd.s32 v7, v9  }
0x148: {  	v8 =	vor.u32 $0x5, v1;
	v10 =	vshll.u32 v16, $0x3;
	v16 =	vld.idx.msk [tilespmem:v11+s0+$0x0], $0xffff  }
0x149: {  	v9 =	vadd.s32 v8, v9;
	v24 =	vbroadcast v10, $0x0;
	v10 =	vld.idx.msk [tilespmem:v11+s31+$0x0], $0xffff  }
0x14a: {  	v26 =	vld.idx.msk [tilespmem:v13+s0+$0x0], $0xffff  }
0x14b: {  	v27 =	vadd.s32 v2, v24;
	v28 =	vld.idx.msk [tilespmem:v13+s31+$0x0], $0xffff  }
0x14c: {  	v29 =	vld.idx.msk [tilespmem:v18+s0+$0x0], $0xffff  }
0x14d: {  	v30 =	vadd.s32 v3, v24;
	v31 =	vld.idx.msk [tilespmem:v18+s31+$0x0], $0xffff  }
0x14e: {  	v32 =	vld.idx.msk [tilespmem:v9+s0+$0x0], $0xffff  }
0x14f: {  	v33 =	vimm.f32 $0.0e+00;
	v20 =	vadd.s32 v4, v24;
	v34 =	vld.idx.msk [tilespmem:v9+s31+$0x0], $0xffff  }
0x150: {  	v11 =	vor.u32 v1, v24;
	v21 =	vadd.s32 v5, v24;
	v9 =	vmul.f32 v16, v10;
	v16 =	vld.idx.msk [tilespmem:v27+s31+$0x0], $0xffff  }
0x151: {  	v35 =	vmul.f32 v17, v22;
	v17 =	vadd.s32 v7, v24;
	v23 =	vmul.f32 v15, v23;
	v18 =	vld.idx.msk [tilespmem:v27+s0+$0x0], $0xffff  }
0x152: {  	v10 =	vadd.s32 v8, v24;
	v27 =	vmul.f32 v12, v14;
	v12 =	vld.idx.msk [tilespmem:v30+s0+$0x0], $0xffff;
	v26 =	vmul.f32 v26, v28  }
0x153: {  	v13 =	vadd.s32 v6, v24;
	v14 =	vld.idx.msk [tilespmem:v30+s31+$0x0], $0xffff;
	v28 =	vadd.f32 v9, v33;
	v29 =	vmul.f32 v29, v31  }
0x154: {  	v24 =	vadd.f32 v35, v33;
	v9 =	vld.idx.msk [tilespmem:v20+s0+$0x0], $0xffff;
	v22 =	vadd.f32 v26, v33;
	v26 =	vmul.f32 v25, v19  }
0x155: {  	s19 =	simm.s32 $0x10;
	v15 =	vadd.f32 v27, v28;
	v19 =	vld.idx.msk [tilespmem:v21+s0+$0x0], $0xffff;
	v25 =	vadd.f32 v29, v33;
	v27 =	vmul.f32 v32, v34  }
.LBB2_15:
0x156: {  	v28 =	vmov s19;
	p0 =	sne.s32 s19, $0x38;
	s19 =	sadd.s32 $0x8, s19;
	v29 =	vld.idx.msk [tilespmem:v20+s31+$0x0], $0xffff;
	v24 =	vadd.f32 v26, v24;
	v26 =	vmov v16  }
0x157: {  	v16 =	vshrl.u32 v28, $0x3;
	v28 =	vld.idx.msk [tilespmem:v21+s31+$0x0], $0xffff;
	v22 =	vadd.f32 v27, v22;
	v25 =	vadd.f32 v23, v25;
	v27 =	vmovc v18  }
0x158: {  	v16 =	vshll.u32 v16, $0x3;
	v18 =	vld.idx.msk [tilespmem:v11+s0+$0x0], $0xffff  }
0x159: {  	v23 =	vbroadcast v16, $0x0;
	v16 =	vld.idx.msk [tilespmem:v11+s31+$0x0], $0xffff  }
0x15a: {  	v30 =	vld.idx.msk [tilespmem:v13+s0+$0x0], $0xffff  }
0x15b: {  	v11 =	vor.u32 v1, v23;
	v31 =	vadd.s32 v8, v23;
	v32 =	vadd.s32 v2, v23;
	v33 =	vld.idx.msk [tilespmem:v13+s31+$0x0], $0xffff  }
0x15c: {  	v34 =	vadd.s32 v3, v23;
	v20 =	vadd.s32 v4, v23;
	v35 =	vld.idx.msk [tilespmem:v17+s0+$0x0], $0xffff  }
0x15d: {  	v13 =	vadd.s32 v6, v23;
	v36 =	vld.idx.msk [tilespmem:v17+s31+$0x0], $0xffff  }
0x15e: {  	v37 =	vld.idx.msk [tilespmem:v10+s0+$0x0], $0xffff  }
0x15f: {  	v39 =	vmul.f32 v12, v14;
	v21 =	vadd.s32 v5, v23;
	v38 =	vmul.f32 v18, v16;
	v40 =	vld.idx.msk [tilespmem:v10+s31+$0x0], $0xffff  }
0x160: {  	v10 =	vmov v31;
	v16 =	vld.idx.msk [tilespmem:v32+s31+$0x0], $0xffff  }
.Ltmp6:
0x161: {  	v17 =	vadd.s32 v7, v23;
	v15 =	vadd.f32 v38, v15;
	v23 =	vmul.f32 v30, v33;
	v18 =	vld.idx.msk [tilespmem:v32+s0+$0x0], $0xffff;
	(pc) =	sbr.rel @p0 .LBB2_15-.Ltmp6, $4  }
0x162: {  	v19 =	vmul.f32 v19, v28;
	v12 =	vld.idx.msk [tilespmem:v34+s0+$0x0], $0xffff  }
0x163: {  	v22 =	vadd.f32 v23, v22;
	v28 =	vmul.f32 v35, v36;
	v23 =	vmul.f32 v9, v29;
	v14 =	vld.idx.msk [tilespmem:v34+s31+$0x0], $0xffff  }
0x164: {  	v26 =	vmul.f32 v27, v26;
	v24 =	vadd.f32 v19, v24;
	v15 =	vadd.f32 v39, v15;
	v9 =	vld.idx.msk [tilespmem:v20+s0+$0x0], $0xffff  }
0x165: {  	v25 =	vadd.f32 v28, v25;
	v27 =	vmul.f32 v37, v40;
	v19 =	vld.idx.msk [tilespmem:v21+s0+$0x0], $0xffff  }
0x166: {  	_ =	sdelay $0x3  }
0x167: {  	v1 =	vld.idx.msk [tilespmem:v20+s31+$0x0], $0xffff  }
0x168: {  	v2 =	vld.idx.msk [tilespmem:v21+s31+$0x0], $0xffff  }
0x169: {  	v3 =	vld.idx.msk [tilespmem:v11+s0+$0x0], $0xffff  }
0x16a: {  	v4 =	vld.idx.msk [tilespmem:v11+s31+$0x0], $0xffff  }
0x16b: {  	v5 =	vld.idx.msk [tilespmem:v13+s0+$0x0], $0xffff  }
0x16c: {  	v6 =	vld.idx.msk [tilespmem:v13+s31+$0x0], $0xffff  }
0x16d: {  	v7 =	vld.idx.msk [tilespmem:v17+s0+$0x0], $0xffff  }
0x16e: {  	v8 =	vld.idx.msk [tilespmem:v17+s31+$0x0], $0xffff  }
0x16f: {  	v56 =	vld.idx.msk [tilespmem:v10+s0+$0x0], $0xffff  }
0x170: {  	v57 =	vld.idx.msk [tilespmem:v10+s31+$0x0], $0xffff  }
0x171: {  	v58 =	vadd.f32 v26, v24;
	v62 =	vmul.f32 v18, v16;
	v61 =	vmul.f32 v12, v14  }
0x172: {  	v59 =	vadd.f32 v27, v22;
	v3 =	vmul.f32 v3, v4;
	v2 =	vmul.f32 v19, v2  }
0x173: {  	v60 =	vadd.f32 v23, v25;
	v5 =	vmul.f32 v5, v6;
	v7 =	vmul.f32 v7, v8  }
0x174: {  	v1 =	vmul.f32 v9, v1;
	v3 =	vadd.f32 v3, v15;
	v2 =	vadd.f32 v2, v58  }
0x175: {  	v63 =	vmul.f32 v56, v57;
	v5 =	vadd.f32 v5, v59;
	v4 =	vadd.f32 v7, v60  }
0x176: {  	v3 =	vadd.f32 v61, v3;
	v2 =	vadd.f32 v62, v2  }
0x177: {  	s17 =	sadd.s32 $0x1, s17;
	v5 =	vadd.f32 v63, v5;
	v1 =	vadd.f32 v1, v4  }
0x178: {  	p0 =	sne.s32 s17, $0x20  }
.Ltmp7:
0x179: {  	v3 =	vadd.f32 v5, v3;
	v1 =	vadd.f32 v1, v2;
	(pc) =	sbr.rel @p0 .LBB2_14-.Ltmp7, $3  }
0x17a: {  	_ = 	snop  }
0x17b: {  	v1 =	vadd.f32 v1, v3;
	_ =	sdelay $0x1  }
0x17c: {  	[tilespmem:s18+$0x10400] =	vst v1  }
0x17d: {  	s15 =	sadd.s32 $0x1, s15  }
0x17e: {  	p0 =	sne.s32 s15, s14  }
.Ltmp8:
0x17f: {  	s6 =	simm.s32 $0x10400;
	(pc) =	sbr.rel @p0 .LBB2_1-.Ltmp8, $4  }
0x180: {  	[hbm4b:s13+s2] =	stream.linear.scatter [tilespmem:s6], [sflag:$0x9], $0x200, $0x38;
	[tilespmem:$0x10600] =	vst v63  }
0x181: {  	_ =	swait.ge [sflag:s1], $0x200  }
0x182: {  	[sflag:s1] =	ssyncset.done $0x0  }
0x183: {  	[sflag:s1] =	ssyncadd.s32 $0xFFFFFE00  }
0x184: {  	_ =	sfence.sel $0x180000  }
0x185: {  	[bflag:$0x0] =	sbarrier.arrive $0xFFFF  }
0x186: {  	_ =	strace $0x90000047  }
0x187: {  	s0 =	stileid.u32;
	[bflag:$0x2] =	sbarrier.arrive $0xFFFF  }
0x188: {  	p0 =	sne.s32 s0, $0x0;
	s0 =	rddreg [dreg:$0x3]  }
0x189: {  	s0 =	sadd.s32 @!p0 $0x100000, s0  }
0x18a: {  	[sflag:s0] =	ssyncadd.tile.s32 @!p0 $0x1;
	_ =	shalt  }
.Lfunc_end2:
_tile_overlayer_lowered:
.L_overlay_start_2:
0x18b: {  	(tag) =	ssettag $0x2  }
0x18c: {  	s0 =	rddreg [dreg:$0x0];
	s2 =	stileid.u32  }
0x18d: {  	s1 =	rddreg [dreg:$0x1];
	p0 =	sne.s32 s2, $0x0  }
0x18e: {  	s3 =	rddreg [dreg:$0x2];
	[bflag:$0x3] =	sbarrier.arrive $0xFFFF;
	s2 =	simm.s32 @!p0 $0x1C09  }
0x18f: {  	[timem:s3], [sflag:s2] =	dma.local @!p0 [hbm:s0], s1  }
0x190: {  	s0 =	simm.s32 @!p0 $0x9  }
0x191: {  	_ =	swait.ge @!p0 [sflag:s0], s1  }
0x192: {  	s1 =	ssub.s32 @!p0 $0x0, s1;
	[sflag:s0] =	ssyncset.done @!p0 $0x0  }
0x193: {  	[sflag:s0] =	ssyncadd.s32 @!p0 s1  }
0x194: {  	[bflag:$0x3] =	sbarrier.arrive $0xFFFF  }
0x195: {  	_ =	shalt  }

</sc_bundles>
